<compile_context>
chip_gen: v7x
topology: tpu7x:2x2x1
jax: 0.10.2.dev20260603
libtpu: 0.0.44.dev20260713+nightly
codegen_flags: <defaults>
</compile_context>

<pallas_src>
import jax
import jax.numpy as jnp
from jax.experimental import pallas as pl
from jax.experimental.pallas import tpu as pltpu
from jax.experimental.pallas import tpu_sc as plsc

HIDDEN = 768
INTER = 768
NUM_EXPERTS = 8
ALPHA = 1.702
LIMIT = 7.0
TOKENS = 2048
BT = 256
NB = TOKENS * 2 // BT + NUM_EXPERTS
P_PAD = NB * BT
CCH = 256

NC, NS, LANES = 2, 16, 16
NW = NC * NS
TPW = TOKENS // NW


def _router_body(x_ref, rw_ref, rb_ref, scores_ref, wout_ref, dest_ref,
                 binfo_ref):
    x = x_ref[...]
    rw = rw_ref[...]
    logits = jax.lax.dot_general(
        x, rw, (((1,), (1,)), ((), ())), preferred_element_type=jnp.float32
    ) + rb_ref[...]
    T, E = logits.shape
    eids = jax.lax.broadcasted_iota(jnp.int32, (T, E), 1)
    m1 = jnp.max(logits, axis=1, keepdims=True)
    i1 = jnp.min(jnp.where(logits == m1, eids, E), axis=1, keepdims=True)
    masked = jnp.where(eids == i1, -jnp.inf, logits)
    m2 = jnp.max(masked, axis=1, keepdims=True)
    i2 = jnp.min(jnp.where(masked == m2, eids, E), axis=1, keepdims=True)
    e2 = jnp.exp(m2 - m1)
    denom = 1.0 + e2
    p1 = 1.0 / denom
    p2 = e2 / denom
    scores_ref[...] = jnp.where(eids == i1, p1, 0.0) + jnp.where(eids == i2, p2, 0.0)
    lane0 = eids == 0
    lane1 = eids == 1
    wout_ref[...] = jnp.where(lane0, p1, 0.0) + jnp.where(lane1, p2, 0.0)

    onehot = (jnp.where(eids == i1, 1.0, 0.0) + jnp.where(eids == i2, 1.0, 0.0))
    counts = jnp.sum(onehot, axis=0, keepdims=True)
    padded = jnp.floor((counts + (BT - 1)) * (1.0 / BT)) * BT
    r8 = jax.lax.broadcasted_iota(jnp.int32, (E, E), 0)
    c8 = jax.lax.broadcasted_iota(jnp.int32, (E, E), 1)
    upper = jnp.where(r8 < c8, 1.0, 0.0).astype(jnp.bfloat16)
    start = jax.lax.dot_general(
        padded.astype(jnp.bfloat16), upper, (((1,), (0,)), ((), ())),
        preferred_element_type=jnp.float32)

    startblk = start * (1.0 / BT)
    bi = jax.lax.broadcasted_iota(jnp.int32, (NB, E), 0).astype(jnp.float32)
    nge = jnp.sum(jnp.where(bi >= startblk, 1.0, 0.0), axis=1, keepdims=True)
    binfo_ref[...] = jnp.broadcast_to(nge - 1.0, (NB, E)).astype(jnp.int32)

    rc = jax.lax.broadcasted_iota(jnp.int32, (CCH, CCH), 0)
    cc = jax.lax.broadcasted_iota(jnp.int32, (CCH, CCH), 1)
    ltri = jnp.where(rc > cc, 1.0, 0.0).astype(jnp.bfloat16)
    carry = jnp.zeros((1, E), jnp.float32)
    for c in range(T // CCH):
        oc = onehot[c * CCH:(c + 1) * CCH, :]
        rex = jax.lax.dot_general(
            ltri, oc.astype(jnp.bfloat16), (((1,), (0,)), ((), ())),
            preferred_element_type=jnp.float32) + carry
        carry = carry + jnp.sum(oc, axis=0, keepdims=True)
        pos = start + rex
        ec = eids[c * CCH:(c + 1) * CCH, :]
        i1c = i1[c * CCH:(c + 1) * CCH, :]
        i2c = i2[c * CCH:(c + 1) * CCH, :]
        d0 = jnp.sum(jnp.where(ec == i1c, pos, 0.0), axis=1, keepdims=True)
        d1 = jnp.sum(jnp.where(ec == i2c, pos, 0.0), axis=1, keepdims=True)
        dest_ref[pl.ds(c * CCH, CCH), :] = (
            jnp.where(lane0[c * CCH:(c + 1) * CCH, :], d0, 0.0)
            + jnp.where(lane1[c * CCH:(c + 1) * CCH, :], d1, 0.0)
        ).astype(jnp.int32)


def _dispatch_body(hs_hbm, d0_hbm, d1_hbm, xs_hbm,
                   hsbuf, d0buf, d1buf, sem):
    wid = jax.lax.axis_index("s") * NC + jax.lax.axis_index("c")
    base = wid * TPW
    pltpu.sync_copy(hs_hbm.at[pl.ds(base, TPW)], hsbuf)
    pltpu.sync_copy(d0_hbm.at[pl.ds(base, TPW)], d0buf)
    pltpu.sync_copy(d1_hbm.at[pl.ds(base, TPW)], d1buf)
    c0 = pltpu.async_copy(hsbuf, xs_hbm.at[d0buf], sem)
    c1 = pltpu.async_copy(hsbuf, xs_hbm.at[d1buf], sem)
    c0.wait()
    c1.wait()


def _expert_body(be_ref, x_ref, wg_ref, wu_ref, bg_ref, bu_ref,
                 wd_ref, bd_ref, y_ref):
    xc = x_ref[...].astype(jnp.bfloat16)
    g = jax.lax.dot_general(
        xc, wg_ref[0], (((1,), (0,)), ((), ())),
        preferred_element_type=jnp.float32) + bg_ref[0]
    u = jax.lax.dot_general(
        xc, wu_ref[0], (((1,), (0,)), ((), ())),
        preferred_element_type=jnp.float32) + bu_ref[0]
    g = jnp.minimum(g, LIMIT)
    u = jnp.clip(u, -LIMIT, LIMIT)
    glu = g * jax.nn.sigmoid(g * ALPHA)
    h = ((u + 1.0) * glu).astype(jnp.bfloat16)
    y = jax.lax.dot_general(
        h, wd_ref[0], (((1,), (0,)), ((), ())),
        preferred_element_type=jnp.float32) + bd_ref[0]
    y_ref[...] = y


def _combine_body(ys_hbm, d0_hbm, d1_hbm, w0_hbm, w1_hbm, out_hbm,
                  d0buf, d1buf, w0buf, w1buf, r0buf, r1buf, sem):
    wid = jax.lax.axis_index("s") * NC + jax.lax.axis_index("c")
    base = wid * TPW
    pltpu.sync_copy(d0_hbm.at[pl.ds(base, TPW)], d0buf)
    pltpu.sync_copy(d1_hbm.at[pl.ds(base, TPW)], d1buf)
    pltpu.sync_copy(w0_hbm.at[pl.ds(base, TPW)], w0buf)
    pltpu.sync_copy(w1_hbm.at[pl.ds(base, TPW)], w1buf)
    g0 = pltpu.async_copy(ys_hbm.at[d0buf], r0buf, sem)
    g1 = pltpu.async_copy(ys_hbm.at[d1buf], r1buf, sem)
    g0.wait()
    g1.wait()

    def body_j(j, _):
        w0 = w0buf[j, pl.ds(0, LANES)]
        w1 = w1buf[j, pl.ds(0, LANES)]

        def body_k(k, _):
            sl = pl.ds(k * LANES, LANES)
            r0buf[j, sl] = w0 * r0buf[j, sl] + w1 * r1buf[j, sl]
            return 0

        jax.lax.fori_loop(0, HIDDEN // LANES, body_k, 0)
        return 0

    jax.lax.fori_loop(0, TPW, body_j, 0)
    pltpu.sync_copy(r0buf, out_hbm.at[pl.ds(base, TPW)])


def kernel(hidden_states, router_weight, router_bias, gate_up_proj,
           gate_up_proj_bias, down_proj, down_proj_bias):
    B, S, H = hidden_states.shape
    T = B * S
    E = NUM_EXPERTS
    F = INTER
    hs = hidden_states.reshape(T, H)

    scores, wout, dest, binfo = pl.pallas_call(
        _router_body,
        out_shape=(
            jax.ShapeDtypeStruct((T, E), jnp.float32),
            jax.ShapeDtypeStruct((T, E), jnp.float32),
            jax.ShapeDtypeStruct((T, E), jnp.int32),
            jax.ShapeDtypeStruct((NB, E), jnp.int32),
        ),
    )(hs, router_weight, router_bias.reshape(1, E))

    d0 = dest[:, 0]
    d1 = dest[:, 1]
    w0 = jnp.broadcast_to(wout[:, 0:1], (T, 128))
    w1 = jnp.broadcast_to(wout[:, 1:2], (T, 128))

    mesh = plsc.VectorSubcoreMesh(core_axis_name="c", subcore_axis_name="s", num_cores=NC, num_subcores=NS)
    x_sorted = pl.kernel(
        _dispatch_body,
        out_type=jax.ShapeDtypeStruct((P_PAD, H), jnp.float32),
        mesh=mesh,
        scratch_types=[
            pltpu.VMEM((TPW, H), jnp.float32),
            pltpu.VMEM((TPW,), jnp.int32),
            pltpu.VMEM((TPW,), jnp.int32),
            pltpu.SemaphoreType.DMA,
        ],
    )(hs, d0, d1)

    wg = gate_up_proj[:, :, 0::2].astype(jnp.bfloat16)
    wu = gate_up_proj[:, :, 1::2].astype(jnp.bfloat16)
    wd16 = down_proj.astype(jnp.bfloat16)
    bg = gate_up_proj_bias[:, 0::2].reshape(E, 1, F)
    bu = gate_up_proj_bias[:, 1::2].reshape(E, 1, F)
    bd = down_proj_bias.reshape(E, 1, H)
    be = binfo[:, 0]

    y_sorted = pl.pallas_call(
        _expert_body,
        grid_spec=pltpu.PrefetchScalarGridSpec(
            num_scalar_prefetch=1,
            grid=(NB,),
            in_specs=[
                pl.BlockSpec((BT, H), lambda i, be_ref: (i, 0)),
                pl.BlockSpec((1, H, F), lambda i, be_ref: (be_ref[i], 0, 0)),
                pl.BlockSpec((1, H, F), lambda i, be_ref: (be_ref[i], 0, 0)),
                pl.BlockSpec((1, 1, F), lambda i, be_ref: (be_ref[i], 0, 0)),
                pl.BlockSpec((1, 1, F), lambda i, be_ref: (be_ref[i], 0, 0)),
                pl.BlockSpec((1, F, H), lambda i, be_ref: (be_ref[i], 0, 0)),
                pl.BlockSpec((1, 1, H), lambda i, be_ref: (be_ref[i], 0, 0)),
            ],
            out_specs=pl.BlockSpec((BT, H), lambda i, be_ref: (i, 0)),
        ),
        out_shape=jax.ShapeDtypeStruct((P_PAD, H), jnp.float32),
        compiler_params=pltpu.CompilerParams(
            dimension_semantics=("arbitrary",),
        ),
    )(be, x_sorted, wg, wu, bg, bu, wd16, bd)

    out = pl.kernel(
        _combine_body,
        out_type=jax.ShapeDtypeStruct((T, H), jnp.float32),
        mesh=plsc.VectorSubcoreMesh(core_axis_name="c", subcore_axis_name="s", num_cores=NC, num_subcores=NS),
        scratch_types=[
            pltpu.VMEM((TPW,), jnp.int32),
            pltpu.VMEM((TPW,), jnp.int32),
            pltpu.VMEM((TPW, 128), jnp.float32),
            pltpu.VMEM((TPW, 128), jnp.float32),
            pltpu.VMEM((TPW, H), jnp.float32),
            pltpu.VMEM((TPW, H), jnp.float32),
            pltpu.SemaphoreType.DMA,
        ],
    )(y_sorted, d0, d1, w0, w1)

    return out.reshape(B, S, H), scores

# --- scband reference (transcript-rebuilt; emitter-appended) ---
"""Pipeline reference for scband-reference-mlp-16217796509889 (READ-ONLY COPY).

The authoritative reference and input builder live on the scoring server;
editing this copy changes nothing except your own understanding.
"""

import jax, jax.numpy as jnp
import numpy as np

HIDDEN = 768
INTER = 768
NUM_EXPERTS = 8
TOP_K = 2
BATCH = 1
SEQ = 2048
ALPHA = 1.702
LIMIT = 7.0


def setup_inputs(seed: int = 0) -> dict:
    key = jax.random.key(seed)
    k0, k1, k2, k3, k4, k5, k6 = jax.random.split(key, 7)
    hidden_states = jax.random.normal(k0, (BATCH, SEQ, HIDDEN), dtype=jnp.float32)
    router_weight = jax.random.normal(k1, (NUM_EXPERTS, HIDDEN), dtype=jnp.float32)
    router_bias = jax.random.normal(k2, (NUM_EXPERTS,), dtype=jnp.float32)
    gate_up_proj = jax.random.normal(k3, (NUM_EXPERTS, HIDDEN, 2 * INTER), dtype=jnp.float32)
    gate_up_proj_bias = jax.random.normal(k4, (NUM_EXPERTS, 2 * INTER), dtype=jnp.float32)
    down_proj = jax.random.normal(k5, (NUM_EXPERTS, INTER, HIDDEN), dtype=jnp.float32)
    down_proj_bias = jax.random.normal(k6, (NUM_EXPERTS, HIDDEN), dtype=jnp.float32)
    return {
        "hidden_states": hidden_states,
        "router_weight": router_weight,
        "router_bias": router_bias,
        "gate_up_proj": gate_up_proj,
        "gate_up_proj_bias": gate_up_proj_bias,
        "down_proj": down_proj,
        "down_proj_bias": down_proj_bias,
    }


def reference(hidden_states, router_weight, router_bias, gate_up_proj,
              gate_up_proj_bias, down_proj, down_proj_bias):
    B = hidden_states.shape[0]
    H = hidden_states.shape[-1]
    hs = hidden_states.reshape(-1, H)  # [T, H]
    T = hs.shape[0]

    # ---- Router ----
    router_logits = hs @ router_weight.T + router_bias  # [T, E]
    top_vals, top_idx = jax.lax.top_k(router_logits, TOP_K)  # [T, k]
    top_vals = jax.nn.softmax(top_vals, axis=1)
    router_scores = jnp.zeros_like(router_logits).at[
        jnp.arange(T)[:, None], top_idx
    ].set(top_vals)  # [T, E]

    # ---- Experts (dense reference: all tokens through all experts) ----
    E = NUM_EXPERTS
    x = jnp.broadcast_to(hs[None, :, :], (E, T, H))  # [E, T, H]
    gate_up = jnp.einsum('eth,ehf->etf', x, gate_up_proj) + gate_up_proj_bias[:, None, :]
    gate = gate_up[..., ::2]
    up = gate_up[..., 1::2]
    gate = jnp.minimum(gate, LIMIT)
    up = jnp.clip(up, -LIMIT, LIMIT)
    glu = gate * jax.nn.sigmoid(gate * ALPHA)
    next_states = jnp.einsum('etf,efh->eth', (up + 1.0) * glu, down_proj)
    next_states = next_states + down_proj_bias[:, None, :]
    next_states = next_states.reshape(E, B, -1, H)  # [E, B, S, H]
    rw = router_scores.T.reshape(E, B, -1)[..., None]  # [E, B, S, 1]
    next_states = (next_states * rw).sum(axis=0)  # [B, S, H]
    return next_states, router_scores

if __name__ == "__main__":
    import jax
    _d = setup_inputs()
    print(jax.jit(kernel)(*tuple(_d.values())))

</pallas_src>

<mosaic_0001>
#map = affine_map<(d0, d1) -> (0, 0)>
#map1 = affine_map<(d0, d1) -> (0)>
module attributes {stable_mosaic.version = 14 : i64} {
  func.func @_combine_body(%arg0: i32, %arg1: i32, %arg2: memref<6144x768xf32, #tpu.memory_space<hbm>>, %arg3: memref<2048xi32, #tpu.memory_space<hbm>>, %arg4: memref<2048xi32, #tpu.memory_space<hbm>>, %arg5: memref<2048x128xf32, #tpu.memory_space<hbm>>, %arg6: memref<2048x128xf32, #tpu.memory_space<hbm>>, %arg7: memref<2048x768xf32, #tpu.memory_space<hbm>>, %arg8: memref<64xi32, #tpu.memory_space<vmem>>, %arg9: memref<64xi32, #tpu.memory_space<vmem>>, %arg10: memref<64x128xf32, #tpu.memory_space<vmem>>, %arg11: memref<64x128xf32, #tpu.memory_space<vmem>>, %arg12: memref<64x768xf32, #tpu.memory_space<vmem>>, %arg13: memref<64x768xf32, #tpu.memory_space<vmem>>, %arg14: memref<!tpu.dma_semaphore, #tpu.memory_space<semaphore_mem>>) attributes {dimension_semantics = [#tpu.dimension_semantics<core_parallel>, #tpu.dimension_semantics<subcore_parallel>], iteration_bounds = array<i64: 2, 16>, scalar_prefetch = 0 : i64, scratch_operands = 7 : i64, tpu.core_type = #tpu.core_type<sc_vector_subcore>, window_params = [{transform_indices = #map}, {transform_indices = #map1}, {transform_indices = #map1}, {transform_indices = #map}, {transform_indices = #map}, {transform_indices = #map}]} {
    %mul3A = arith.constant 2 : i32
    %mul3A_0 = arith.muli %arg1, %mul3A : i32
    %add3A = arith.addi %mul3A_0, %arg0 : i32
    %mul3A_1 = arith.constant 64 : i32
    %mul3A_2 = arith.muli %add3A, %mul3A_1 : i32
    "tpu.region"() ({
      %run_scoped3A = tpu.sem_alloc : memref<!tpu.dma_semaphore, #tpu.memory_space<semaphore_mem>>
      %dma_start3A_19 = tpu.memref_slice %arg3[%mul3A_2] : memref<2048xi32, #tpu.memory_space<hbm>> -> memref<64xi32, #tpu.memory_space<hbm>>
      %dma_start3A_20 = tpu.memref_slice %arg3[%mul3A_2] : memref<2048xi32, #tpu.memory_space<hbm>> -> memref<64xi32, #tpu.memory_space<hbm>>
      tpu.enqueue_dma source(%dma_start3A_20 : memref<64xi32, #tpu.memory_space<hbm>>) target(%arg8 : memref<64xi32, #tpu.memory_space<vmem>>) target_semaphore(%run_scoped3A : memref<!tpu.dma_semaphore, #tpu.memory_space<semaphore_mem>>)
      %dma_wait3A_21 = tpu.memref_slice %arg3[%mul3A_2] : memref<2048xi32, #tpu.memory_space<hbm>> -> memref<64xi32, #tpu.memory_space<hbm>>
      %dma_wait3A_22 = tpu.memref_slice %arg3[%mul3A_2] : memref<2048xi32, #tpu.memory_space<hbm>> -> memref<64xi32, #tpu.memory_space<hbm>>
      tpu.wait_dma2 semaphore(%run_scoped3A : memref<!tpu.dma_semaphore, #tpu.memory_space<semaphore_mem>>) src(%dma_wait3A_22 : memref<64xi32, #tpu.memory_space<hbm>>) dst(%arg8 : memref<64xi32, #tpu.memory_space<vmem>>)
      tpu.yield
    }) : () -> ()
    "tpu.region"() ({
      %run_scoped3A = tpu.sem_alloc : memref<!tpu.dma_semaphore, #tpu.memory_space<semaphore_mem>>
      %dma_start3A_19 = tpu.memref_slice %arg4[%mul3A_2] : memref<2048xi32, #tpu.memory_space<hbm>> -> memref<64xi32, #tpu.memory_space<hbm>>
      %dma_start3A_20 = tpu.memref_slice %arg4[%mul3A_2] : memref<2048xi32, #tpu.memory_space<hbm>> -> memref<64xi32, #tpu.memory_space<hbm>>
      tpu.enqueue_dma source(%dma_start3A_20 : memref<64xi32, #tpu.memory_space<hbm>>) target(%arg9 : memref<64xi32, #tpu.memory_space<vmem>>) target_semaphore(%run_scoped3A : memref<!tpu.dma_semaphore, #tpu.memory_space<semaphore_mem>>)
      %dma_wait3A_21 = tpu.memref_slice %arg4[%mul3A_2] : memref<2048xi32, #tpu.memory_space<hbm>> -> memref<64xi32, #tpu.memory_space<hbm>>
      %dma_wait3A_22 = tpu.memref_slice %arg4[%mul3A_2] : memref<2048xi32, #tpu.memory_space<hbm>> -> memref<64xi32, #tpu.memory_space<hbm>>
      tpu.wait_dma2 semaphore(%run_scoped3A : memref<!tpu.dma_semaphore, #tpu.memory_space<semaphore_mem>>) src(%dma_wait3A_22 : memref<64xi32, #tpu.memory_space<hbm>>) dst(%arg9 : memref<64xi32, #tpu.memory_space<vmem>>)
      tpu.yield
    }) : () -> ()
    "tpu.region"() ({
      %run_scoped3A = tpu.sem_alloc : memref<!tpu.dma_semaphore, #tpu.memory_space<semaphore_mem>>
      %dma_start3A_19 = arith.constant 0 : i32
      %dma_start3A_20 = tpu.memref_slice %arg5[%mul3A_2, %dma_start3A_19] : memref<2048x128xf32, #tpu.memory_space<hbm>> -> memref<64x128xf32, #tpu.memory_space<hbm>>
      %dma_start3A_21 = arith.constant 0 : i32
      %dma_start3A_22 = tpu.memref_slice %arg5[%mul3A_2, %dma_start3A_21] : memref<2048x128xf32, #tpu.memory_space<hbm>> -> memref<64x128xf32, #tpu.memory_space<hbm>>
      tpu.enqueue_dma source(%dma_start3A_22 : memref<64x128xf32, #tpu.memory_space<hbm>>) target(%arg10 : memref<64x128xf32, #tpu.memory_space<vmem>>) target_semaphore(%run_scoped3A : memref<!tpu.dma_semaphore, #tpu.memory_space<semaphore_mem>>)
      %dma_wait3A_23 = arith.constant 0 : i32
      %dma_wait3A_24 = tpu.memref_slice %arg5[%mul3A_2, %dma_wait3A_23] : memref<2048x128xf32, #tpu.memory_space<hbm>> -> memref<64x128xf32, #tpu.memory_space<hbm>>
      %dma_wait3A_25 = arith.constant 0 : i32
      %dma_wait3A_26 = tpu.memref_slice %arg5[%mul3A_2, %dma_wait3A_25] : memref<2048x128xf32, #tpu.memory_space<hbm>> -> memref<64x128xf32, #tpu.memory_space<hbm>>
      tpu.wait_dma2 semaphore(%run_scoped3A : memref<!tpu.dma_semaphore, #tpu.memory_space<semaphore_mem>>) src(%dma_wait3A_26 : memref<64x128xf32, #tpu.memory_space<hbm>>) dst(%arg10 : memref<64x128xf32, #tpu.memory_space<vmem>>)
      tpu.yield
    }) : () -> ()
    "tpu.region"() ({
      %run_scoped3A = tpu.sem_alloc : memref<!tpu.dma_semaphore, #tpu.memory_space<semaphore_mem>>
      %dma_start3A_19 = arith.constant 0 : i32
      %dma_start3A_20 = tpu.memref_slice %arg6[%mul3A_2, %dma_start3A_19] : memref<2048x128xf32, #tpu.memory_space<hbm>> -> memref<64x128xf32, #tpu.memory_space<hbm>>
      %dma_start3A_21 = arith.constant 0 : i32
      %dma_start3A_22 = tpu.memref_slice %arg6[%mul3A_2, %dma_start3A_21] : memref<2048x128xf32, #tpu.memory_space<hbm>> -> memref<64x128xf32, #tpu.memory_space<hbm>>
      tpu.enqueue_dma source(%dma_start3A_22 : memref<64x128xf32, #tpu.memory_space<hbm>>) target(%arg11 : memref<64x128xf32, #tpu.memory_space<vmem>>) target_semaphore(%run_scoped3A : memref<!tpu.dma_semaphore, #tpu.memory_space<semaphore_mem>>)
      %dma_wait3A_23 = arith.constant 0 : i32
      %dma_wait3A_24 = tpu.memref_slice %arg6[%mul3A_2, %dma_wait3A_23] : memref<2048x128xf32, #tpu.memory_space<hbm>> -> memref<64x128xf32, #tpu.memory_space<hbm>>
      %dma_wait3A_25 = arith.constant 0 : i32
      %dma_wait3A_26 = tpu.memref_slice %arg6[%mul3A_2, %dma_wait3A_25] : memref<2048x128xf32, #tpu.memory_space<hbm>> -> memref<64x128xf32, #tpu.memory_space<hbm>>
      tpu.wait_dma2 semaphore(%run_scoped3A : memref<!tpu.dma_semaphore, #tpu.memory_space<semaphore_mem>>) src(%dma_wait3A_26 : memref<64x128xf32, #tpu.memory_space<hbm>>) dst(%arg11 : memref<64x128xf32, #tpu.memory_space<vmem>>)
      tpu.yield
    }) : () -> ()
    %dma_start3A = arith.constant 0 : i32
    %dma_start3A_3 = arith.constant 0 : i32
    %dma_start3A_4 = tpu.memref_slice %arg2[%dma_start3A, %dma_start3A_3] : memref<6144x768xf32, #tpu.memory_space<hbm>> -> memref<6144x768xf32, #tpu.memory_space<hbm>>
    tpu.enqueue_indirect_dma source(%dma_start3A_4 : memref<6144x768xf32, #tpu.memory_space<hbm>>) target(%arg12 : memref<64x768xf32, #tpu.memory_space<vmem>>) offsets(%arg8 : memref<64xi32, #tpu.memory_space<vmem>>) semaphore(%arg14 : memref<!tpu.dma_semaphore, #tpu.memory_space<semaphore_mem>>)
    %dma_start3A_5 = arith.constant 0 : i32
    %dma_start3A_6 = arith.constant 0 : i32
    %dma_start3A_7 = tpu.memref_slice %arg2[%dma_start3A_5, %dma_start3A_6] : memref<6144x768xf32, #tpu.memory_space<hbm>> -> memref<6144x768xf32, #tpu.memory_space<hbm>>
    tpu.enqueue_indirect_dma source(%dma_start3A_7 : memref<6144x768xf32, #tpu.memory_space<hbm>>) target(%arg13 : memref<64x768xf32, #tpu.memory_space<vmem>>) offsets(%arg9 : memref<64xi32, #tpu.memory_space<vmem>>) semaphore(%arg14 : memref<!tpu.dma_semaphore, #tpu.memory_space<semaphore_mem>>)
    %dma_wait3A = arith.constant 0 : i32
    %dma_wait3A_8 = arith.constant 0 : i32
    %dma_wait3A_9 = tpu.memref_slice %arg2[%dma_wait3A, %dma_wait3A_8] : memref<6144x768xf32, #tpu.memory_space<hbm>> -> memref<6144x768xf32, #tpu.memory_space<hbm>>
    tpu.wait_indirect_dma semaphore(%arg14 : memref<!tpu.dma_semaphore, #tpu.memory_space<semaphore_mem>>) src(%dma_wait3A_9 : memref<6144x768xf32, #tpu.memory_space<hbm>>) dst(%arg12 : memref<64x768xf32, #tpu.memory_space<vmem>>)
    %dma_wait3A_10 = arith.constant 0 : i32
    %dma_wait3A_11 = arith.constant 0 : i32
    %dma_wait3A_12 = tpu.memref_slice %arg2[%dma_wait3A_10, %dma_wait3A_11] : memref<6144x768xf32, #tpu.memory_space<hbm>> -> memref<6144x768xf32, #tpu.memory_space<hbm>>
    tpu.wait_indirect_dma semaphore(%arg14 : memref<!tpu.dma_semaphore, #tpu.memory_space<semaphore_mem>>) src(%dma_wait3A_12 : memref<6144x768xf32, #tpu.memory_space<hbm>>) dst(%arg13 : memref<64x768xf32, #tpu.memory_space<vmem>>)
    %scan3A = arith.constant 0 : i32
    %scan3A_13 = arith.constant 0 : i32
    %scan3A_14 = arith.constant 64 : i32
    %scan3A_15 = arith.addi %scan3A_13, %scan3A_14 : i32
    %scan3A_16 = arith.constant 1 : i32
    %scan3A_17 = scf.for %scan3A_19 = %scan3A_13 to %scan3A_15 step %scan3A_16 iter_args(%scan3A_20 = %scan3A) -> (i32)  : i32 {
      %get3A = arith.index_cast %scan3A_19 : i32 to index
      %get3A_21 = arith.constant 0 : index
      %get3A_22 = tpu.vector_load %arg10[%get3A, %get3A_21] {strides = array<i32>} : memref<64x128xf32, #tpu.memory_space<vmem>>, vector<1x16xf32>,
      %get3A_23 = vector.shape_cast %get3A_22 : vector<1x16xf32> to vector<16xf32>
      %get3A_24 = arith.index_cast %scan3A_19 : i32 to index
      %get3A_25 = arith.constant 0 : index
      %get3A_26 = tpu.vector_load %arg11[%get3A_24, %get3A_25] {strides = array<i32>} : memref<64x128xf32, #tpu.memory_space<vmem>>, vector<1x16xf32>,
      %get3A_27 = vector.shape_cast %get3A_26 : vector<1x16xf32> to vector<16xf32>
      %scan3A_28 = arith.constant 0 : i32
      %scan3A_29 = arith.constant 0 : i32
      %scan3A_30 = arith.constant 48 : i32
      %scan3A_31 = arith.addi %scan3A_29, %scan3A_30 : i32
      %scan3A_32 = arith.constant 1 : i32
      %scan3A_33 = scf.for %scan3A_36 = %scan3A_29 to %scan3A_31 step %scan3A_32 iter_args(%scan3A_37 = %scan3A_28) -> (i32)  : i32 {
        %mul3A_38 = arith.constant 16 : i32
        %mul3A_39 = arith.muli %scan3A_36, %mul3A_38 : i32
        %get3A_40 = arith.index_cast %scan3A_19 : i32 to index
        %get3A_41 = arith.index_cast %mul3A_39 : i32 to index
        %get3A_42 = tpu.vector_load %arg12[%get3A_40, %get3A_41] {strides = array<i32>} : memref<64x768xf32, #tpu.memory_space<vmem>>, vector<1x16xf32>,
        %get3A_43 = vector.shape_cast %get3A_42 : vector<1x16xf32> to vector<16xf32>
        %mul3A_44 = arith.mulf %get3A_23, %get3A_43 : vector<16xf32>
        %get3A_45 = arith.index_cast %scan3A_19 : i32 to index
        %get3A_46 = arith.index_cast %mul3A_39 : i32 to index
        %get3A_47 = tpu.vector_load %arg13[%get3A_45, %get3A_46] {strides = array<i32>} : memref<64x768xf32, #tpu.memory_space<vmem>>, vector<1x16xf32>,
        %get3A_48 = vector.shape_cast %get3A_47 : vector<1x16xf32> to vector<16xf32>
        %mul3A_49 = arith.mulf %get3A_27, %get3A_48 : vector<16xf32>
        %add3A_50 = arith.addf %mul3A_44, %mul3A_49 : vector<16xf32>
        %swap3A = arith.index_cast %scan3A_19 : i32 to index
        %swap3A_51 = arith.index_cast %mul3A_39 : i32 to index
        %swap3A_52 = tpu.vector_load %arg12[%swap3A, %swap3A_51] {strides = array<i32>} : memref<64x768xf32, #tpu.memory_space<vmem>>, vector<1x16xf32>,
        %swap3A_53 = vector.shape_cast %swap3A_52 : vector<1x16xf32> to vector<16xf32>
        %swap3A_54 = vector.shape_cast %add3A_50 : vector<16xf32> to vector<1x16xf32>
        tpu.vector_store %arg12[%swap3A, %swap3A_51], %swap3A_54 {strides = array<i32>} : memref<64x768xf32, #tpu.memory_space<vmem>>, vector<1x16xf32>,
        %scan3A_55 = arith.constant 0 : i32
        scf.yield %scan3A_55 : i32
      }
      %scan3A_34 = arith.constant 48 : i32
      %scan3A_35 = arith.constant 0 : i32
      scf.yield %scan3A_35 : i32
    }
    %scan3A_18 = arith.constant 64 : i32
    "tpu.region"() ({
      %run_scoped3A = tpu.sem_alloc : memref<!tpu.dma_semaphore, #tpu.memory_space<semaphore_mem>>
      %dma_start3A_19 = arith.constant 0 : i32
      %dma_start3A_20 = tpu.memref_slice %arg7[%mul3A_2, %dma_start3A_19] : memref<2048x768xf32, #tpu.memory_space<hbm>> -> memref<64x768xf32, #tpu.memory_space<hbm>>
      %dma_start3A_21 = arith.constant 0 : i32
      %dma_start3A_22 = tpu.memref_slice %arg7[%mul3A_2, %dma_start3A_21] : memref<2048x768xf32, #tpu.memory_space<hbm>> -> memref<64x768xf32, #tpu.memory_space<hbm>>
      tpu.enqueue_dma source(%arg12 : memref<64x768xf32, #tpu.memory_space<vmem>>) target(%dma_start3A_22 : memref<64x768xf32, #tpu.memory_space<hbm>>) target_semaphore(%run_scoped3A : memref<!tpu.dma_semaphore, #tpu.memory_space<semaphore_mem>>)
      %dma_wait3A_23 = arith.constant 0 : i32
      %dma_wait3A_24 = tpu.memref_slice %arg7[%mul3A_2, %dma_wait3A_23] : memref<2048x768xf32, #tpu.memory_space<hbm>> -> memref<64x768xf32, #tpu.memory_space<hbm>>
      %dma_wait3A_25 = arith.constant 0 : i32
      %dma_wait3A_26 = tpu.memref_slice %arg7[%mul3A_2, %dma_wait3A_25] : memref<2048x768xf32, #tpu.memory_space<hbm>> -> memref<64x768xf32, #tpu.memory_space<hbm>>
      tpu.wait_dma2 semaphore(%run_scoped3A : memref<!tpu.dma_semaphore, #tpu.memory_space<semaphore_mem>>) src(%arg12 : memref<64x768xf32, #tpu.memory_space<vmem>>) dst(%dma_wait3A_26 : memref<64x768xf32, #tpu.memory_space<hbm>>)
      tpu.yield
    }) : () -> ()
    return
  }
}

#map = affine_map<(d0, d1) -> (0, 0)>
#map1 = affine_map<(d0, d1) -> (0)>
module attributes {stable_mosaic.version = 14 : i64} {
  func.func @_dispatch_body(%arg0: i32, %arg1: i32, %arg2: memref<2048x768xf32, #tpu.memory_space<hbm>>, %arg3: memref<2048xi32, #tpu.memory_space<hbm>>, %arg4: memref<2048xi32, #tpu.memory_space<hbm>>, %arg5: memref<6144x768xf32, #tpu.memory_space<hbm>>, %arg6: memref<64x768xf32, #tpu.memory_space<vmem>>, %arg7: memref<64xi32, #tpu.memory_space<vmem>>, %arg8: memref<64xi32, #tpu.memory_space<vmem>>, %arg9: memref<!tpu.dma_semaphore, #tpu.memory_space<semaphore_mem>>) attributes {dimension_semantics = [#tpu.dimension_semantics<core_parallel>, #tpu.dimension_semantics<subcore_parallel>], iteration_bounds = array<i64: 2, 16>, scalar_prefetch = 0 : i64, scratch_operands = 4 : i64, tpu.core_type = #tpu.core_type<sc_vector_subcore>, window_params = [{transform_indices = #map}, {transform_indices = #map1}, {transform_indices = #map1}, {transform_indices = #map}]} {
    %mul3A = arith.constant 2 : i32
    %mul3A_0 = arith.muli %arg1, %mul3A : i32
    %add3A = arith.addi %mul3A_0, %arg0 : i32
    %mul3A_1 = arith.constant 64 : i32
    %mul3A_2 = arith.muli %add3A, %mul3A_1 : i32
    "tpu.region"() ({
      %run_scoped3A = tpu.sem_alloc : memref<!tpu.dma_semaphore, #tpu.memory_space<semaphore_mem>>
      %dma_start3A_13 = arith.constant 0 : i32
      %dma_start3A_14 = tpu.memref_slice %arg2[%mul3A_2, %dma_start3A_13] : memref<2048x768xf32, #tpu.memory_space<hbm>> -> memref<64x768xf32, #tpu.memory_space<hbm>>
      %dma_start3A_15 = arith.constant 0 : i32
      %dma_start3A_16 = tpu.memref_slice %arg2[%mul3A_2, %dma_start3A_15] : memref<2048x768xf32, #tpu.memory_space<hbm>> -> memref<64x768xf32, #tpu.memory_space<hbm>>
      tpu.enqueue_dma source(%dma_start3A_16 : memref<64x768xf32, #tpu.memory_space<hbm>>) target(%arg6 : memref<64x768xf32, #tpu.memory_space<vmem>>) target_semaphore(%run_scoped3A : memref<!tpu.dma_semaphore, #tpu.memory_space<semaphore_mem>>)
      %dma_wait3A_17 = arith.constant 0 : i32
      %dma_wait3A_18 = tpu.memref_slice %arg2[%mul3A_2, %dma_wait3A_17] : memref<2048x768xf32, #tpu.memory_space<hbm>> -> memref<64x768xf32, #tpu.memory_space<hbm>>
      %dma_wait3A_19 = arith.constant 0 : i32
      %dma_wait3A_20 = tpu.memref_slice %arg2[%mul3A_2, %dma_wait3A_19] : memref<2048x768xf32, #tpu.memory_space<hbm>> -> memref<64x768xf32, #tpu.memory_space<hbm>>
      tpu.wait_dma2 semaphore(%run_scoped3A : memref<!tpu.dma_semaphore, #tpu.memory_space<semaphore_mem>>) src(%dma_wait3A_20 : memref<64x768xf32, #tpu.memory_space<hbm>>) dst(%arg6 : memref<64x768xf32, #tpu.memory_space<vmem>>)
      tpu.yield
    }) : () -> ()
    "tpu.region"() ({
      %run_scoped3A = tpu.sem_alloc : memref<!tpu.dma_semaphore, #tpu.memory_space<semaphore_mem>>
      %dma_start3A_13 = tpu.memref_slice %arg3[%mul3A_2] : memref<2048xi32, #tpu.memory_space<hbm>> -> memref<64xi32, #tpu.memory_space<hbm>>
      %dma_start3A_14 = tpu.memref_slice %arg3[%mul3A_2] : memref<2048xi32, #tpu.memory_space<hbm>> -> memref<64xi32, #tpu.memory_space<hbm>>
      tpu.enqueue_dma source(%dma_start3A_14 : memref<64xi32, #tpu.memory_space<hbm>>) target(%arg7 : memref<64xi32, #tpu.memory_space<vmem>>) target_semaphore(%run_scoped3A : memref<!tpu.dma_semaphore, #tpu.memory_space<semaphore_mem>>)
      %dma_wait3A_15 = tpu.memref_slice %arg3[%mul3A_2] : memref<2048xi32, #tpu.memory_space<hbm>> -> memref<64xi32, #tpu.memory_space<hbm>>
      %dma_wait3A_16 = tpu.memref_slice %arg3[%mul3A_2] : memref<2048xi32, #tpu.memory_space<hbm>> -> memref<64xi32, #tpu.memory_space<hbm>>
      tpu.wait_dma2 semaphore(%run_scoped3A : memref<!tpu.dma_semaphore, #tpu.memory_space<semaphore_mem>>) src(%dma_wait3A_16 : memref<64xi32, #tpu.memory_space<hbm>>) dst(%arg7 : memref<64xi32, #tpu.memory_space<vmem>>)
      tpu.yield
    }) : () -> ()
    "tpu.region"() ({
      %run_scoped3A = tpu.sem_alloc : memref<!tpu.dma_semaphore, #tpu.memory_space<semaphore_mem>>
      %dma_start3A_13 = tpu.memref_slice %arg4[%mul3A_2] : memref<2048xi32, #tpu.memory_space<hbm>> -> memref<64xi32, #tpu.memory_space<hbm>>
      %dma_start3A_14 = tpu.memref_slice %arg4[%mul3A_2] : memref<2048xi32, #tpu.memory_space<hbm>> -> memref<64xi32, #tpu.memory_space<hbm>>
      tpu.enqueue_dma source(%dma_start3A_14 : memref<64xi32, #tpu.memory_space<hbm>>) target(%arg8 : memref<64xi32, #tpu.memory_space<vmem>>) target_semaphore(%run_scoped3A : memref<!tpu.dma_semaphore, #tpu.memory_space<semaphore_mem>>)
      %dma_wait3A_15 = tpu.memref_slice %arg4[%mul3A_2] : memref<2048xi32, #tpu.memory_space<hbm>> -> memref<64xi32, #tpu.memory_space<hbm>>
      %dma_wait3A_16 = tpu.memref_slice %arg4[%mul3A_2] : memref<2048xi32, #tpu.memory_space<hbm>> -> memref<64xi32, #tpu.memory_space<hbm>>
      tpu.wait_dma2 semaphore(%run_scoped3A : memref<!tpu.dma_semaphore, #tpu.memory_space<semaphore_mem>>) src(%dma_wait3A_16 : memref<64xi32, #tpu.memory_space<hbm>>) dst(%arg8 : memref<64xi32, #tpu.memory_space<vmem>>)
      tpu.yield
    }) : () -> ()
    %dma_start3A = arith.constant 0 : i32
    %dma_start3A_3 = arith.constant 0 : i32
    %dma_start3A_4 = tpu.memref_slice %arg5[%dma_start3A, %dma_start3A_3] : memref<6144x768xf32, #tpu.memory_space<hbm>> -> memref<6144x768xf32, #tpu.memory_space<hbm>>
    tpu.enqueue_indirect_dma source(%arg6 : memref<64x768xf32, #tpu.memory_space<vmem>>) target(%dma_start3A_4 : memref<6144x768xf32, #tpu.memory_space<hbm>>) offsets(%arg7 : memref<64xi32, #tpu.memory_space<vmem>>) semaphore(%arg9 : memref<!tpu.dma_semaphore, #tpu.memory_space<semaphore_mem>>)
    %dma_start3A_5 = arith.constant 0 : i32
    %dma_start3A_6 = arith.constant 0 : i32
    %dma_start3A_7 = tpu.memref_slice %arg5[%dma_start3A_5, %dma_start3A_6] : memref<6144x768xf32, #tpu.memory_space<hbm>> -> memref<6144x768xf32, #tpu.memory_space<hbm>>
    tpu.enqueue_indirect_dma source(%arg6 : memref<64x768xf32, #tpu.memory_space<vmem>>) target(%dma_start3A_7 : memref<6144x768xf32, #tpu.memory_space<hbm>>) offsets(%arg8 : memref<64xi32, #tpu.memory_space<vmem>>) semaphore(%arg9 : memref<!tpu.dma_semaphore, #tpu.memory_space<semaphore_mem>>)
    %dma_wait3A = arith.constant 0 : i32
    %dma_wait3A_8 = arith.constant 0 : i32
    %dma_wait3A_9 = tpu.memref_slice %arg5[%dma_wait3A, %dma_wait3A_8] : memref<6144x768xf32, #tpu.memory_space<hbm>> -> memref<6144x768xf32, #tpu.memory_space<hbm>>
    tpu.wait_indirect_dma semaphore(%arg9 : memref<!tpu.dma_semaphore, #tpu.memory_space<semaphore_mem>>) src(%arg6 : memref<64x768xf32, #tpu.memory_space<vmem>>) dst(%dma_wait3A_9 : memref<6144x768xf32, #tpu.memory_space<hbm>>)
    %dma_wait3A_10 = arith.constant 0 : i32
    %dma_wait3A_11 = arith.constant 0 : i32
    %dma_wait3A_12 = tpu.memref_slice %arg5[%dma_wait3A_10, %dma_wait3A_11] : memref<6144x768xf32, #tpu.memory_space<hbm>> -> memref<6144x768xf32, #tpu.memory_space<hbm>>
    tpu.wait_indirect_dma semaphore(%arg9 : memref<!tpu.dma_semaphore, #tpu.memory_space<semaphore_mem>>) src(%arg6 : memref<64x768xf32, #tpu.memory_space<vmem>>) dst(%dma_wait3A_12 : memref<6144x768xf32, #tpu.memory_space<hbm>>)
    return
  }
}

module attributes {stable_mosaic.version = 14 : i64} {
  func.func @_router_body(%arg0: memref<2048x768xf32, #tpu.memory_space<vmem>>, %arg1: memref<8x768xf32, #tpu.memory_space<vmem>>, %arg2: memref<1x8xf32, #tpu.memory_space<vmem>>, %arg3: memref<2048x8xf32, #tpu.memory_space<vmem>>, %arg4: memref<2048x8xf32, #tpu.memory_space<vmem>>, %arg5: memref<2048x8xi32, #tpu.memory_space<vmem>>, %arg6: memref<24x8xi32, #tpu.memory_space<vmem>>) attributes {dimension_semantics = [], scalar_prefetch = 0 : i64, scratch_operands = 0 : i64, tpu.core_type = #tpu.core_type<tc>} {
    %get3A = arith.constant 0 : index
    %get3A_0 = arith.constant 0 : index
    %get3A_1 = vector.load %arg0[%get3A, %get3A_0] : memref<2048x768xf32, #tpu.memory_space<vmem>>, vector<2048x768xf32>
    %get3A_2 = arith.constant 0 : index
    %get3A_3 = arith.constant 0 : index
    %get3A_4 = vector.load %arg1[%get3A_2, %get3A_3] : memref<8x768xf32, #tpu.memory_space<vmem>>, vector<8x768xf32>
    %dot_general3A = arith.constant dense<0.000000e+00> : vector<2048x8xf32>
    %dot_general3A_5 = tpu.matmul %get3A_1, %get3A_4, %dot_general3A {dimension_numbers = #tpu.dot_dimension_numbers<[1], [1], [0], [0], [0, 0, 1, 0], [], []>, transpose_lhs_hint = false} : vector<2048x768xf32>, vector<8x768xf32>, vector<2048x8xf32> -> vector<2048x8xf32>
    %get3A_6 = arith.constant 0 : index
    %get3A_7 = arith.constant 0 : index
    %get3A_8 = vector.load %arg2[%get3A_6, %get3A_7] : memref<1x8xf32, #tpu.memory_space<vmem>>, vector<1x8xf32>
    %add3A = vector.broadcast %get3A_8 : vector<1x8xf32> to vector<2048x8xf32>
    %add3A_9 = arith.addf %dot_general3A_5, %add3A : vector<2048x8xf32>
    %iota3A = tpu.iota {dimensions = array<i32: 1>} : vector<2048x8xi32>
    %reduce_max3A = arith.constant dense<0xFF800000> : vector<2048xf32>
    %reduce_max3A_10 = vector.multi_reduction <maximumf>, %add3A_9, %reduce_max3A [1] : vector<2048x8xf32> to vector<2048xf32>
    %broadcast_in_dim3A = vector.shape_cast %reduce_max3A_10 : vector<2048xf32> to vector<2048x1xf32>
    %eq3A = vector.broadcast %broadcast_in_dim3A : vector<2048x1xf32> to vector<2048x8xf32>
    %eq3A_11 = arith.cmpf oeq, %add3A_9, %eq3A : vector<2048x8xf32>
    %jit3A = arith.constant 8 : i32
    %broadcast_in_dim3A_12 = vector.broadcast %jit3A : i32 to vector<2048x8xi32>
    %select_n3A = arith.select %eq3A_11, %iota3A, %broadcast_in_dim3A_12 : vector<2048x8xi1>, vector<2048x8xi32>
    %reduce_min3A = arith.constant dense<2147483647> : vector<2048xi32>
    %reduce_min3A_13 = vector.multi_reduction <minsi>, %select_n3A, %reduce_min3A [1] : vector<2048x8xi32> to vector<2048xi32>
    %broadcast_in_dim3A_14 = vector.shape_cast %reduce_min3A_13 : vector<2048xi32> to vector<2048x1xi32>
    %eq3A_15 = vector.broadcast %broadcast_in_dim3A_14 : vector<2048x1xi32> to vector<2048x8xi32>
    %eq3A_16 = arith.cmpi eq, %iota3A, %eq3A_15 : vector<2048x8xi32>
    %jit3A_17 = arith.constant 0xFF800000 : f32
    %broadcast_in_dim3A_18 = vector.broadcast %jit3A_17 : f32 to vector<2048x8xf32>
    %select_n3A_19 = arith.select %eq3A_16, %broadcast_in_dim3A_18, %add3A_9 : vector<2048x8xi1>, vector<2048x8xf32>
    %reduce_max3A_20 = arith.constant dense<0xFF800000> : vector<2048xf32>
    %reduce_max3A_21 = vector.multi_reduction <maximumf>, %select_n3A_19, %reduce_max3A_20 [1] : vector<2048x8xf32> to vector<2048xf32>
    %broadcast_in_dim3A_22 = vector.shape_cast %reduce_max3A_21 : vector<2048xf32> to vector<2048x1xf32>
    %eq3A_23 = vector.broadcast %broadcast_in_dim3A_22 : vector<2048x1xf32> to vector<2048x8xf32>
    %eq3A_24 = arith.cmpf oeq, %select_n3A_19, %eq3A_23 : vector<2048x8xf32>
    %jit3A_25 = arith.constant 8 : i32
    %broadcast_in_dim3A_26 = vector.broadcast %jit3A_25 : i32 to vector<2048x8xi32>
    %select_n3A_27 = arith.select %eq3A_24, %iota3A, %broadcast_in_dim3A_26 : vector<2048x8xi1>, vector<2048x8xi32>
    %reduce_min3A_28 = arith.constant dense<2147483647> : vector<2048xi32>
    %reduce_min3A_29 = vector.multi_reduction <minsi>, %select_n3A_27, %reduce_min3A_28 [1] : vector<2048x8xi32> to vector<2048xi32>
    %broadcast_in_dim3A_30 = vector.shape_cast %reduce_min3A_29 : vector<2048xi32> to vector<2048x1xi32>
    %sub3A = arith.subf %broadcast_in_dim3A_22, %broadcast_in_dim3A : vector<2048x1xf32>
    %exp3A = math.exp %sub3A : vector<2048x1xf32>
    %add3A_31 = arith.constant 1.000000e+00 : f32
    %add3A_32 = vector.broadcast %add3A_31 : f32 to vector<2048x1xf32>
    %add3A_33 = arith.addf %add3A_32, %exp3A : vector<2048x1xf32>
    %div3A = arith.constant 1.000000e+00 : f32
    %div3A_34 = vector.broadcast %div3A : f32 to vector<2048x1xf32>
    %div3A_35 = arith.divf %div3A_34, %add3A_33 : vector<2048x1xf32>
    %div3A_36 = arith.divf %exp3A, %add3A_33 : vector<2048x1xf32>
    %eq3A_37 = vector.broadcast %broadcast_in_dim3A_14 : vector<2048x1xi32> to vector<2048x8xi32>
    %eq3A_38 = arith.cmpi eq, %iota3A, %eq3A_37 : vector<2048x8xi32>
    %jit3A_39 = arith.constant 0.000000e+00 : f32
    %broadcast_in_dim3A_40 = vector.shape_cast %div3A_35 : vector<2048x1xf32> to vector<2048x1xf32>
    %broadcast_in_dim3A_41 = vector.broadcast %broadcast_in_dim3A_40 : vector<2048x1xf32> to vector<2048x8xf32>
    %broadcast_in_dim3A_42 = vector.broadcast %jit3A_39 : f32 to vector<2048x8xf32>
    %select_n3A_43 = arith.select %eq3A_38, %broadcast_in_dim3A_41, %broadcast_in_dim3A_42 : vector<2048x8xi1>, vector<2048x8xf32>
    %eq3A_44 = vector.broadcast %broadcast_in_dim3A_30 : vector<2048x1xi32> to vector<2048x8xi32>
    %eq3A_45 = arith.cmpi eq, %iota3A, %eq3A_44 : vector<2048x8xi32>
    %jit3A_46 = arith.constant 0.000000e+00 : f32
    %broadcast_in_dim3A_47 = vector.shape_cast %div3A_36 : vector<2048x1xf32> to vector<2048x1xf32>
    %broadcast_in_dim3A_48 = vector.broadcast %broadcast_in_dim3A_47 : vector<2048x1xf32> to vector<2048x8xf32>
    %broadcast_in_dim3A_49 = vector.broadcast %jit3A_46 : f32 to vector<2048x8xf32>
    %select_n3A_50 = arith.select %eq3A_45, %broadcast_in_dim3A_48, %broadcast_in_dim3A_49 : vector<2048x8xi1>, vector<2048x8xf32>
    %add3A_51 = arith.addf %select_n3A_43, %select_n3A_50 : vector<2048x8xf32>
    %swap3A = arith.constant 0 : index
    %swap3A_52 = arith.constant 0 : index
    %swap3A_53 = vector.load %arg3[%swap3A, %swap3A_52] : memref<2048x8xf32, #tpu.memory_space<vmem>>, vector<2048x8xf32>
    tpu.vector_store %arg3[%swap3A, %swap3A_52], %add3A_51 {strides = array<i32>} : memref<2048x8xf32, #tpu.memory_space<vmem>>, vector<2048x8xf32>,
    %eq3A_54 = arith.constant 0 : i32
    %eq3A_55 = vector.broadcast %eq3A_54 : i32 to vector<2048x8xi32>
    %eq3A_56 = arith.cmpi eq, %iota3A, %eq3A_55 : vector<2048x8xi32>
    %eq3A_57 = arith.constant 1 : i32
    %eq3A_58 = vector.broadcast %eq3A_57 : i32 to vector<2048x8xi32>
    %eq3A_59 = arith.cmpi eq, %iota3A, %eq3A_58 : vector<2048x8xi32>
    %jit3A_60 = arith.constant 0.000000e+00 : f32
    %broadcast_in_dim3A_61 = vector.shape_cast %div3A_35 : vector<2048x1xf32> to vector<2048x1xf32>
    %broadcast_in_dim3A_62 = vector.broadcast %broadcast_in_dim3A_61 : vector<2048x1xf32> to vector<2048x8xf32>
    %broadcast_in_dim3A_63 = vector.broadcast %jit3A_60 : f32 to vector<2048x8xf32>
    %select_n3A_64 = arith.select %eq3A_56, %broadcast_in_dim3A_62, %broadcast_in_dim3A_63 : vector<2048x8xi1>, vector<2048x8xf32>
    %jit3A_65 = arith.constant 0.000000e+00 : f32
    %broadcast_in_dim3A_66 = vector.shape_cast %div3A_36 : vector<2048x1xf32> to vector<2048x1xf32>
    %broadcast_in_dim3A_67 = vector.broadcast %broadcast_in_dim3A_66 : vector<2048x1xf32> to vector<2048x8xf32>
    %broadcast_in_dim3A_68 = vector.broadcast %jit3A_65 : f32 to vector<2048x8xf32>
    %select_n3A_69 = arith.select %eq3A_59, %broadcast_in_dim3A_67, %broadcast_in_dim3A_68 : vector<2048x8xi1>, vector<2048x8xf32>
    %add3A_70 = arith.addf %select_n3A_64, %select_n3A_69 : vector<2048x8xf32>
    %swap3A_71 = arith.constant 0 : index
    %swap3A_72 = arith.constant 0 : index
    %swap3A_73 = vector.load %arg4[%swap3A_71, %swap3A_72] : memref<2048x8xf32, #tpu.memory_space<vmem>>, vector<2048x8xf32>
    tpu.vector_store %arg4[%swap3A_71, %swap3A_72], %add3A_70 {strides = array<i32>} : memref<2048x8xf32, #tpu.memory_space<vmem>>, vector<2048x8xf32>,
    %eq3A_74 = vector.broadcast %broadcast_in_dim3A_14 : vector<2048x1xi32> to vector<2048x8xi32>
    %eq3A_75 = arith.cmpi eq, %iota3A, %eq3A_74 : vector<2048x8xi32>
    %jit3A_76 = arith.constant 1.000000e+00 : f32
    %jit3A_77 = arith.constant 0.000000e+00 : f32
    %broadcast_in_dim3A_78 = vector.broadcast %jit3A_76 : f32 to vector<2048x8xf32>
    %broadcast_in_dim3A_79 = vector.broadcast %jit3A_77 : f32 to vector<2048x8xf32>
    %select_n3A_80 = arith.select %eq3A_75, %broadcast_in_dim3A_78, %broadcast_in_dim3A_79 : vector<2048x8xi1>, vector<2048x8xf32>
    %eq3A_81 = vector.broadcast %broadcast_in_dim3A_30 : vector<2048x1xi32> to vector<2048x8xi32>
    %eq3A_82 = arith.cmpi eq, %iota3A, %eq3A_81 : vector<2048x8xi32>
    %jit3A_83 = arith.constant 1.000000e+00 : f32
    %jit3A_84 = arith.constant 0.000000e+00 : f32
    %broadcast_in_dim3A_85 = vector.broadcast %jit3A_83 : f32 to vector<2048x8xf32>
    %broadcast_in_dim3A_86 = vector.broadcast %jit3A_84 : f32 to vector<2048x8xf32>
    %select_n3A_87 = arith.select %eq3A_82, %broadcast_in_dim3A_85, %broadcast_in_dim3A_86 : vector<2048x8xi1>, vector<2048x8xf32>
    %add3A_88 = arith.addf %select_n3A_80, %select_n3A_87 : vector<2048x8xf32>
    %reduce_sum3A = arith.constant dense<0.000000e+00> : vector<8xf32>
    %reduce_sum3A_89 = vector.multi_reduction <add>, %add3A_88, %reduce_sum3A [0] : vector<2048x8xf32> to vector<8xf32>
    %broadcast_in_dim3A_90 = vector.shape_cast %reduce_sum3A_89 : vector<8xf32> to vector<1x8xf32>
    %add3A_91 = arith.constant 2.550000e+02 : f32
    %add3A_92 = vector.broadcast %add3A_91 : f32 to vector<1x8xf32>
    %add3A_93 = arith.addf %broadcast_in_dim3A_90, %add3A_92 : vector<1x8xf32>
    %mul3A = arith.constant 3.906250e-03 : f32
    %mul3A_94 = vector.broadcast %mul3A : f32 to vector<1x8xf32>
    %mul3A_95 = arith.mulf %add3A_93, %mul3A_94 : vector<1x8xf32>
    %floor3A = math.floor %mul3A_95 : vector<1x8xf32>
    %mul3A_96 = arith.constant 2.560000e+02 : f32
    %mul3A_97 = vector.broadcast %mul3A_96 : f32 to vector<1x8xf32>
    %mul3A_98 = arith.mulf %floor3A, %mul3A_97 : vector<1x8xf32>
    %iota3A_99 = tpu.iota {dimensions = array<i32: 0>} : vector<8x8xi32>
    %iota3A_100 = tpu.iota {dimensions = array<i32: 1>} : vector<8x8xi32>
    %lt3A = arith.cmpi slt, %iota3A_99, %iota3A_100 : vector<8x8xi32>
    %jit3A_101 = arith.constant 1.000000e+00 : f32
    %jit3A_102 = arith.constant 0.000000e+00 : f32
    %broadcast_in_dim3A_103 = vector.broadcast %jit3A_101 : f32 to vector<8x8xf32>
    %broadcast_in_dim3A_104 = vector.broadcast %jit3A_102 : f32 to vector<8x8xf32>
    %select_n3A_105 = arith.select %lt3A, %broadcast_in_dim3A_103, %broadcast_in_dim3A_104 : vector<8x8xi1>, vector<8x8xf32>
    %convert_element_type3A = arith.truncf %select_n3A_105 : vector<8x8xf32> to vector<8x8xbf16>
    %convert_element_type3A_106 = arith.truncf %mul3A_98 : vector<1x8xf32> to vector<1x8xbf16>
    %dot_general3A_107 = arith.constant dense<0.000000e+00> : vector<1x8xf32>
    %dot_general3A_108 = tpu.matmul %convert_element_type3A_106, %convert_element_type3A, %dot_general3A_107 {dimension_numbers = #tpu.dot_dimension_numbers<[1], [0], [0], [1], [0, 0, 1, 1], [], []>, transpose_lhs_hint = false} : vector<1x8xbf16>, vector<8x8xbf16>, vector<1x8xf32> -> vector<1x8xf32>
    %mul3A_109 = arith.constant 3.906250e-03 : f32
    %mul3A_110 = vector.broadcast %mul3A_109 : f32 to vector<1x8xf32>
    %mul3A_111 = arith.mulf %dot_general3A_108, %mul3A_110 : vector<1x8xf32>
    %iota3A_112 = tpu.iota {dimensions = array<i32: 0>} : vector<24x8xi32>
    %convert_element_type3A_113 = arith.sitofp %iota3A_112 : vector<24x8xi32> to vector<24x8xf32>
    %ge3A = vector.broadcast %mul3A_111 : vector<1x8xf32> to vector<24x8xf32>
    %ge3A_114 = arith.cmpf oge, %convert_element_type3A_113, %ge3A : vector<24x8xf32>
    %jit3A_115 = arith.constant 1.000000e+00 : f32
    %jit3A_116 = arith.constant 0.000000e+00 : f32
    %broadcast_in_dim3A_117 = vector.broadcast %jit3A_115 : f32 to vector<24x8xf32>
    %broadcast_in_dim3A_118 = vector.broadcast %jit3A_116 : f32 to vector<24x8xf32>
    %select_n3A_119 = arith.select %ge3A_114, %broadcast_in_dim3A_117, %broadcast_in_dim3A_118 : vector<24x8xi1>, vector<24x8xf32>
    %reduce_sum3A_120 = arith.constant dense<0.000000e+00> : vector<24xf32>
    %reduce_sum3A_121 = vector.multi_reduction <add>, %select_n3A_119, %reduce_sum3A_120 [1] : vector<24x8xf32> to vector<24xf32>
    %broadcast_in_dim3A_122 = vector.shape_cast %reduce_sum3A_121 : vector<24xf32> to vector<24x1xf32>
    %sub3A_123 = arith.constant 1.000000e+00 : f32
    %sub3A_124 = vector.broadcast %sub3A_123 : f32 to vector<24x1xf32>
    %sub3A_125 = arith.subf %broadcast_in_dim3A_122, %sub3A_124 : vector<24x1xf32>
    %broadcast_in_dim3A_126 = vector.shape_cast %sub3A_125 : vector<24x1xf32> to vector<24x1xf32>
    %broadcast_in_dim3A_127 = vector.broadcast %broadcast_in_dim3A_126 : vector<24x1xf32> to vector<24x8xf32>
    %convert_element_type3A_128 = arith.fptosi %broadcast_in_dim3A_127 : vector<24x8xf32> to vector<24x8xi32>
    %swap3A_129 = arith.constant 0 : index
    %swap3A_130 = arith.constant 0 : index
    %swap3A_131 = vector.load %arg6[%swap3A_129, %swap3A_130] : memref<24x8xi32, #tpu.memory_space<vmem>>, vector<24x8xi32>
    tpu.vector_store %arg6[%swap3A_129, %swap3A_130], %convert_element_type3A_128 {strides = array<i32>} : memref<24x8xi32, #tpu.memory_space<vmem>>, vector<24x8xi32>,
    %iota3A_132 = tpu.iota {dimensions = array<i32: 0>} : vector<256x256xi32>
    %iota3A_133 = tpu.iota {dimensions = array<i32: 1>} : vector<256x256xi32>
    %gt3A = arith.cmpi sgt, %iota3A_132, %iota3A_133 : vector<256x256xi32>
    %jit3A_134 = arith.constant 1.000000e+00 : f32
    %jit3A_135 = arith.constant 0.000000e+00 : f32
    %broadcast_in_dim3A_136 = vector.broadcast %jit3A_134 : f32 to vector<256x256xf32>
    %broadcast_in_dim3A_137 = vector.broadcast %jit3A_135 : f32 to vector<256x256xf32>
    %select_n3A_138 = arith.select %gt3A, %broadcast_in_dim3A_136, %broadcast_in_dim3A_137 : vector<256x256xi1>, vector<256x256xf32>
    %convert_element_type3A_139 = arith.truncf %select_n3A_138 : vector<256x256xf32> to vector<256x256xbf16>
    %broadcast_in_dim3A_140 = arith.constant 0.000000e+00 : f32
    %broadcast_in_dim3A_141 = vector.broadcast %broadcast_in_dim3A_140 : f32 to vector<1x8xf32>
    %slice3A = vector.extract_strided_slice %add3A_88 {offsets = [0, 0], sizes = [256, 8], strides = [1, 1]} : vector<2048x8xf32> to vector<256x8xf32>
    %convert_element_type3A_142 = arith.truncf %slice3A : vector<256x8xf32> to vector<256x8xbf16>
    %dot_general3A_143 = arith.constant dense<0.000000e+00> : vector<256x8xf32>
    %dot_general3A_144 = tpu.matmul %convert_element_type3A_139, %convert_element_type3A_142, %dot_general3A_143 {dimension_numbers = #tpu.dot_dimension_numbers<[1], [0], [0], [1], [0, 0, 1, 1], [], []>, transpose_lhs_hint = false} : vector<256x256xbf16>, vector<256x8xbf16>, vector<256x8xf32> -> vector<256x8xf32>
    %add3A_145 = vector.broadcast %broadcast_in_dim3A_141 : vector<1x8xf32> to vector<256x8xf32>
    %add3A_146 = arith.addf %dot_general3A_144, %add3A_145 : vector<256x8xf32>
    %reduce_sum3A_147 = arith.constant dense<0.000000e+00> : vector<8xf32>
    %reduce_sum3A_148 = vector.multi_reduction <add>, %slice3A, %reduce_sum3A_147 [0] : vector<256x8xf32> to vector<8xf32>
    %broadcast_in_dim3A_149 = vector.shape_cast %reduce_sum3A_148 : vector<8xf32> to vector<1x8xf32>
    %add3A_150 = arith.addf %broadcast_in_dim3A_141, %broadcast_in_dim3A_149 : vector<1x8xf32>
    %add3A_151 = vector.broadcast %dot_general3A_108 : vector<1x8xf32> to vector<256x8xf32>
    %add3A_152 = arith.addf %add3A_151, %add3A_146 : vector<256x8xf32>
    %slice3A_153 = vector.extract_strided_slice %iota3A {offsets = [0, 0], sizes = [256, 8], strides = [1, 1]} : vector<2048x8xi32> to vector<256x8xi32>
    %slice3A_154 = vector.extract_strided_slice %broadcast_in_dim3A_14 {offsets = [0, 0], sizes = [256, 1], strides = [1, 1]} : vector<2048x1xi32> to vector<256x1xi32>
    %slice3A_155 = vector.extract_strided_slice %broadcast_in_dim3A_30 {offsets = [0, 0], sizes = [256, 1], strides = [1, 1]} : vector<2048x1xi32> to vector<256x1xi32>
    %eq3A_156 = vector.broadcast %slice3A_154 : vector<256x1xi32> to vector<256x8xi32>
    %eq3A_157 = arith.cmpi eq, %slice3A_153, %eq3A_156 : vector<256x8xi32>
    %jit3A_158 = arith.constant 0.000000e+00 : f32
    %broadcast_in_dim3A_159 = vector.broadcast %jit3A_158 : f32 to vector<256x8xf32>
    %select_n3A_160 = arith.select %eq3A_157, %add3A_152, %broadcast_in_dim3A_159 : vector<256x8xi1>, vector<256x8xf32>
    %reduce_sum3A_161 = arith.constant dense<0.000000e+00> : vector<256xf32>
    %reduce_sum3A_162 = vector.multi_reduction <add>, %select_n3A_160, %reduce_sum3A_161 [1] : vector<256x8xf32> to vector<256xf32>
    %broadcast_in_dim3A_163 = vector.shape_cast %reduce_sum3A_162 : vector<256xf32> to vector<256x1xf32>
    %eq3A_164 = vector.broadcast %slice3A_155 : vector<256x1xi32> to vector<256x8xi32>
    %eq3A_165 = arith.cmpi eq, %slice3A_153, %eq3A_164 : vector<256x8xi32>
    %jit3A_166 = arith.constant 0.000000e+00 : f32
    %broadcast_in_dim3A_167 = vector.broadcast %jit3A_166 : f32 to vector<256x8xf32>
    %select_n3A_168 = arith.select %eq3A_165, %add3A_152, %broadcast_in_dim3A_167 : vector<256x8xi1>, vector<256x8xf32>
    %reduce_sum3A_169 = arith.constant dense<0.000000e+00> : vector<256xf32>
    %reduce_sum3A_170 = vector.multi_reduction <add>, %select_n3A_168, %reduce_sum3A_169 [1] : vector<256x8xf32> to vector<256xf32>
    %broadcast_in_dim3A_171 = vector.shape_cast %reduce_sum3A_170 : vector<256xf32> to vector<256x1xf32>
    %slice3A_172 = vector.extract_strided_slice %eq3A_56 {offsets = [0, 0], sizes = [256, 8], strides = [1, 1]} : vector<2048x8xi1> to vector<256x8xi1>
    %jit3A_173 = arith.constant 0.000000e+00 : f32
    %broadcast_in_dim3A_174 = vector.shape_cast %broadcast_in_dim3A_163 : vector<256x1xf32> to vector<256x1xf32>
    %broadcast_in_dim3A_175 = vector.broadcast %broadcast_in_dim3A_174 : vector<256x1xf32> to vector<256x8xf32>
    %broadcast_in_dim3A_176 = vector.broadcast %jit3A_173 : f32 to vector<256x8xf32>
    %select_n3A_177 = arith.select %slice3A_172, %broadcast_in_dim3A_175, %broadcast_in_dim3A_176 : vector<256x8xi1>, vector<256x8xf32>
    %slice3A_178 = vector.extract_strided_slice %eq3A_59 {offsets = [0, 0], sizes = [256, 8], strides = [1, 1]} : vector<2048x8xi1> to vector<256x8xi1>
    %jit3A_179 = arith.constant 0.000000e+00 : f32
    %broadcast_in_dim3A_180 = vector.shape_cast %broadcast_in_dim3A_171 : vector<256x1xf32> to vector<256x1xf32>
    %broadcast_in_dim3A_181 = vector.broadcast %broadcast_in_dim3A_180 : vector<256x1xf32> to vector<256x8xf32>
    %broadcast_in_dim3A_182 = vector.broadcast %jit3A_179 : f32 to vector<256x8xf32>
    %select_n3A_183 = arith.select %slice3A_178, %broadcast_in_dim3A_181, %broadcast_in_dim3A_182 : vector<256x8xi1>, vector<256x8xf32>
    %add3A_184 = arith.addf %select_n3A_177, %select_n3A_183 : vector<256x8xf32>
    %convert_element_type3A_185 = arith.fptosi %add3A_184 : vector<256x8xf32> to vector<256x8xi32>
    %swap3A_186 = arith.constant 0 : index
    %swap3A_187 = arith.constant 0 : index
    %swap3A_188 = vector.load %arg5[%swap3A_186, %swap3A_187] : memref<2048x8xi32, #tpu.memory_space<vmem>>, vector<256x8xi32>
    tpu.vector_store %arg5[%swap3A_186, %swap3A_187], %convert_element_type3A_185 {strides = array<i32>} : memref<2048x8xi32, #tpu.memory_space<vmem>>, vector<256x8xi32>,
    %slice3A_189 = vector.extract_strided_slice %add3A_88 {offsets = [256, 0], sizes = [256, 8], strides = [1, 1]} : vector<2048x8xf32> to vector<256x8xf32>
    %convert_element_type3A_190 = arith.truncf %slice3A_189 : vector<256x8xf32> to vector<256x8xbf16>
    %dot_general3A_191 = arith.constant dense<0.000000e+00> : vector<256x8xf32>
    %dot_general3A_192 = tpu.matmul %convert_element_type3A_139, %convert_element_type3A_190, %dot_general3A_191 {dimension_numbers = #tpu.dot_dimension_numbers<[1], [0], [0], [1], [0, 0, 1, 1], [], []>, transpose_lhs_hint = false} : vector<256x256xbf16>, vector<256x8xbf16>, vector<256x8xf32> -> vector<256x8xf32>
    %add3A_193 = vector.broadcast %add3A_150 : vector<1x8xf32> to vector<256x8xf32>
    %add3A_194 = arith.addf %dot_general3A_192, %add3A_193 : vector<256x8xf32>
    %reduce_sum3A_195 = arith.constant dense<0.000000e+00> : vector<8xf32>
    %reduce_sum3A_196 = vector.multi_reduction <add>, %slice3A_189, %reduce_sum3A_195 [0] : vector<256x8xf32> to vector<8xf32>
    %broadcast_in_dim3A_197 = vector.shape_cast %reduce_sum3A_196 : vector<8xf32> to vector<1x8xf32>
    %add3A_198 = arith.addf %add3A_150, %broadcast_in_dim3A_197 : vector<1x8xf32>
    %add3A_199 = vector.broadcast %dot_general3A_108 : vector<1x8xf32> to vector<256x8xf32>
    %add3A_200 = arith.addf %add3A_199, %add3A_194 : vector<256x8xf32>
    %slice3A_201 = vector.extract_strided_slice %iota3A {offsets = [256, 0], sizes = [256, 8], strides = [1, 1]} : vector<2048x8xi32> to vector<256x8xi32>
    %slice3A_202 = vector.extract_strided_slice %broadcast_in_dim3A_14 {offsets = [256, 0], sizes = [256, 1], strides = [1, 1]} : vector<2048x1xi32> to vector<256x1xi32>
    %slice3A_203 = vector.extract_strided_slice %broadcast_in_dim3A_30 {offsets = [256, 0], sizes = [256, 1], strides = [1, 1]} : vector<2048x1xi32> to vector<256x1xi32>
    %eq3A_204 = vector.broadcast %slice3A_202 : vector<256x1xi32> to vector<256x8xi32>
    %eq3A_205 = arith.cmpi eq, %slice3A_201, %eq3A_204 : vector<256x8xi32>
    %jit3A_206 = arith.constant 0.000000e+00 : f32
    %broadcast_in_dim3A_207 = vector.broadcast %jit3A_206 : f32 to vector<256x8xf32>
    %select_n3A_208 = arith.select %eq3A_205, %add3A_200, %broadcast_in_dim3A_207 : vector<256x8xi1>, vector<256x8xf32>
    %reduce_sum3A_209 = arith.constant dense<0.000000e+00> : vector<256xf32>
    %reduce_sum3A_210 = vector.multi_reduction <add>, %select_n3A_208, %reduce_sum3A_209 [1] : vector<256x8xf32> to vector<256xf32>
    %broadcast_in_dim3A_211 = vector.shape_cast %reduce_sum3A_210 : vector<256xf32> to vector<256x1xf32>
    %eq3A_212 = vector.broadcast %slice3A_203 : vector<256x1xi32> to vector<256x8xi32>
    %eq3A_213 = arith.cmpi eq, %slice3A_201, %eq3A_212 : vector<256x8xi32>
    %jit3A_214 = arith.constant 0.000000e+00 : f32
    %broadcast_in_dim3A_215 = vector.broadcast %jit3A_214 : f32 to vector<256x8xf32>
    %select_n3A_216 = arith.select %eq3A_213, %add3A_200, %broadcast_in_dim3A_215 : vector<256x8xi1>, vector<256x8xf32>
    %reduce_sum3A_217 = arith.constant dense<0.000000e+00> : vector<256xf32>
    %reduce_sum3A_218 = vector.multi_reduction <add>, %select_n3A_216, %reduce_sum3A_217 [1] : vector<256x8xf32> to vector<256xf32>
    %broadcast_in_dim3A_219 = vector.shape_cast %reduce_sum3A_218 : vector<256xf32> to vector<256x1xf32>
    %slice3A_220 = vector.extract_strided_slice %eq3A_56 {offsets = [256, 0], sizes = [256, 8], strides = [1, 1]} : vector<2048x8xi1> to vector<256x8xi1>
    %jit3A_221 = arith.constant 0.000000e+00 : f32
    %broadcast_in_dim3A_222 = vector.shape_cast %broadcast_in_dim3A_211 : vector<256x1xf32> to vector<256x1xf32>
    %broadcast_in_dim3A_223 = vector.broadcast %broadcast_in_dim3A_222 : vector<256x1xf32> to vector<256x8xf32>
    %broadcast_in_dim3A_224 = vector.broadcast %jit3A_221 : f32 to vector<256x8xf32>
    %select_n3A_225 = arith.select %slice3A_220, %broadcast_in_dim3A_223, %broadcast_in_dim3A_224 : vector<256x8xi1>, vector<256x8xf32>
    %slice3A_226 = vector.extract_strided_slice %eq3A_59 {offsets = [256, 0], sizes = [256, 8], strides = [1, 1]} : vector<2048x8xi1> to vector<256x8xi1>
    %jit3A_227 = arith.constant 0.000000e+00 : f32
    %broadcast_in_dim3A_228 = vector.shape_cast %broadcast_in_dim3A_219 : vector<256x1xf32> to vector<256x1xf32>
    %broadcast_in_dim3A_229 = vector.broadcast %broadcast_in_dim3A_228 : vector<256x1xf32> to vector<256x8xf32>
    %broadcast_in_dim3A_230 = vector.broadcast %jit3A_227 : f32 to vector<256x8xf32>
    %select_n3A_231 = arith.select %slice3A_226, %broadcast_in_dim3A_229, %broadcast_in_dim3A_230 : vector<256x8xi1>, vector<256x8xf32>
    %add3A_232 = arith.addf %select_n3A_225, %select_n3A_231 : vector<256x8xf32>
    %convert_element_type3A_233 = arith.fptosi %add3A_232 : vector<256x8xf32> to vector<256x8xi32>
    %swap3A_234 = arith.constant 256 : index
    %swap3A_235 = arith.constant 0 : index
    %swap3A_236 = vector.load %arg5[%swap3A_234, %swap3A_235] : memref<2048x8xi32, #tpu.memory_space<vmem>>, vector<256x8xi32>
    tpu.vector_store %arg5[%swap3A_234, %swap3A_235], %convert_element_type3A_233 {strides = array<i32>} : memref<2048x8xi32, #tpu.memory_space<vmem>>, vector<256x8xi32>,
    %slice3A_237 = vector.extract_strided_slice %add3A_88 {offsets = [512, 0], sizes = [256, 8], strides = [1, 1]} : vector<2048x8xf32> to vector<256x8xf32>
    %convert_element_type3A_238 = arith.truncf %slice3A_237 : vector<256x8xf32> to vector<256x8xbf16>
    %dot_general3A_239 = arith.constant dense<0.000000e+00> : vector<256x8xf32>
    %dot_general3A_240 = tpu.matmul %convert_element_type3A_139, %convert_element_type3A_238, %dot_general3A_239 {dimension_numbers = #tpu.dot_dimension_numbers<[1], [0], [0], [1], [0, 0, 1, 1], [], []>, transpose_lhs_hint = false} : vector<256x256xbf16>, vector<256x8xbf16>, vector<256x8xf32> -> vector<256x8xf32>
    %add3A_241 = vector.broadcast %add3A_198 : vector<1x8xf32> to vector<256x8xf32>
    %add3A_242 = arith.addf %dot_general3A_240, %add3A_241 : vector<256x8xf32>
    %reduce_sum3A_243 = arith.constant dense<0.000000e+00> : vector<8xf32>
    %reduce_sum3A_244 = vector.multi_reduction <add>, %slice3A_237, %reduce_sum3A_243 [0] : vector<256x8xf32> to vector<8xf32>
    %broadcast_in_dim3A_245 = vector.shape_cast %reduce_sum3A_244 : vector<8xf32> to vector<1x8xf32>
    %add3A_246 = arith.addf %add3A_198, %broadcast_in_dim3A_245 : vector<1x8xf32>
    %add3A_247 = vector.broadcast %dot_general3A_108 : vector<1x8xf32> to vector<256x8xf32>
    %add3A_248 = arith.addf %add3A_247, %add3A_242 : vector<256x8xf32>
    %slice3A_249 = vector.extract_strided_slice %iota3A {offsets = [512, 0], sizes = [256, 8], strides = [1, 1]} : vector<2048x8xi32> to vector<256x8xi32>
    %slice3A_250 = vector.extract_strided_slice %broadcast_in_dim3A_14 {offsets = [512, 0], sizes = [256, 1], strides = [1, 1]} : vector<2048x1xi32> to vector<256x1xi32>
    %slice3A_251 = vector.extract_strided_slice %broadcast_in_dim3A_30 {offsets = [512, 0], sizes = [256, 1], strides = [1, 1]} : vector<2048x1xi32> to vector<256x1xi32>
    %eq3A_252 = vector.broadcast %slice3A_250 : vector<256x1xi32> to vector<256x8xi32>
    %eq3A_253 = arith.cmpi eq, %slice3A_249, %eq3A_252 : vector<256x8xi32>
    %jit3A_254 = arith.constant 0.000000e+00 : f32
    %broadcast_in_dim3A_255 = vector.broadcast %jit3A_254 : f32 to vector<256x8xf32>
    %select_n3A_256 = arith.select %eq3A_253, %add3A_248, %broadcast_in_dim3A_255 : vector<256x8xi1>, vector<256x8xf32>
    %reduce_sum3A_257 = arith.constant dense<0.000000e+00> : vector<256xf32>
    %reduce_sum3A_258 = vector.multi_reduction <add>, %select_n3A_256, %reduce_sum3A_257 [1] : vector<256x8xf32> to vector<256xf32>
    %broadcast_in_dim3A_259 = vector.shape_cast %reduce_sum3A_258 : vector<256xf32> to vector<256x1xf32>
    %eq3A_260 = vector.broadcast %slice3A_251 : vector<256x1xi32> to vector<256x8xi32>
    %eq3A_261 = arith.cmpi eq, %slice3A_249, %eq3A_260 : vector<256x8xi32>
    %jit3A_262 = arith.constant 0.000000e+00 : f32
    %broadcast_in_dim3A_263 = vector.broadcast %jit3A_262 : f32 to vector<256x8xf32>
    %select_n3A_264 = arith.select %eq3A_261, %add3A_248, %broadcast_in_dim3A_263 : vector<256x8xi1>, vector<256x8xf32>
    %reduce_sum3A_265 = arith.constant dense<0.000000e+00> : vector<256xf32>
    %reduce_sum3A_266 = vector.multi_reduction <add>, %select_n3A_264, %reduce_sum3A_265 [1] : vector<256x8xf32> to vector<256xf32>
    %broadcast_in_dim3A_267 = vector.shape_cast %reduce_sum3A_266 : vector<256xf32> to vector<256x1xf32>
    %slice3A_268 = vector.extract_strided_slice %eq3A_56 {offsets = [512, 0], sizes = [256, 8], strides = [1, 1]} : vector<2048x8xi1> to vector<256x8xi1>
    %jit3A_269 = arith.constant 0.000000e+00 : f32
    %broadcast_in_dim3A_270 = vector.shape_cast %broadcast_in_dim3A_259 : vector<256x1xf32> to vector<256x1xf32>
    %broadcast_in_dim3A_271 = vector.broadcast %broadcast_in_dim3A_270 : vector<256x1xf32> to vector<256x8xf32>
    %broadcast_in_dim3A_272 = vector.broadcast %jit3A_269 : f32 to vector<256x8xf32>
    %select_n3A_273 = arith.select %slice3A_268, %broadcast_in_dim3A_271, %broadcast_in_dim3A_272 : vector<256x8xi1>, vector<256x8xf32>
    %slice3A_274 = vector.extract_strided_slice %eq3A_59 {offsets = [512, 0], sizes = [256, 8], strides = [1, 1]} : vector<2048x8xi1> to vector<256x8xi1>
    %jit3A_275 = arith.constant 0.000000e+00 : f32
    %broadcast_in_dim3A_276 = vector.shape_cast %broadcast_in_dim3A_267 : vector<256x1xf32> to vector<256x1xf32>
    %broadcast_in_dim3A_277 = vector.broadcast %broadcast_in_dim3A_276 : vector<256x1xf32> to vector<256x8xf32>
    %broadcast_in_dim3A_278 = vector.broadcast %jit3A_275 : f32 to vector<256x8xf32>
    %select_n3A_279 = arith.select %slice3A_274, %broadcast_in_dim3A_277, %broadcast_in_dim3A_278 : vector<256x8xi1>, vector<256x8xf32>
    %add3A_280 = arith.addf %select_n3A_273, %select_n3A_279 : vector<256x8xf32>
    %convert_element_type3A_281 = arith.fptosi %add3A_280 : vector<256x8xf32> to vector<256x8xi32>
    %swap3A_282 = arith.constant 512 : index
    %swap3A_283 = arith.constant 0 : index
    %swap3A_284 = vector.load %arg5[%swap3A_282, %swap3A_283] : memref<2048x8xi32, #tpu.memory_space<vmem>>, vector<256x8xi32>
    tpu.vector_store %arg5[%swap3A_282, %swap3A_283], %convert_element_type3A_281 {strides = array<i32>} : memref<2048x8xi32, #tpu.memory_space<vmem>>, vector<256x8xi32>,
    %slice3A_285 = vector.extract_strided_slice %add3A_88 {offsets = [768, 0], sizes = [256, 8], strides = [1, 1]} : vector<2048x8xf32> to vector<256x8xf32>
    %convert_element_type3A_286 = arith.truncf %slice3A_285 : vector<256x8xf32> to vector<256x8xbf16>
    %dot_general3A_287 = arith.constant dense<0.000000e+00> : vector<256x8xf32>
    %dot_general3A_288 = tpu.matmul %convert_element_type3A_139, %convert_element_type3A_286, %dot_general3A_287 {dimension_numbers = #tpu.dot_dimension_numbers<[1], [0], [0], [1], [0, 0, 1, 1], [], []>, transpose_lhs_hint = false} : vector<256x256xbf16>, vector<256x8xbf16>, vector<256x8xf32> -> vector<256x8xf32>
    %add3A_289 = vector.broadcast %add3A_246 : vector<1x8xf32> to vector<256x8xf32>
    %add3A_290 = arith.addf %dot_general3A_288, %add3A_289 : vector<256x8xf32>
    %reduce_sum3A_291 = arith.constant dense<0.000000e+00> : vector<8xf32>
    %reduce_sum3A_292 = vector.multi_reduction <add>, %slice3A_285, %reduce_sum3A_291 [0] : vector<256x8xf32> to vector<8xf32>
    %broadcast_in_dim3A_293 = vector.shape_cast %reduce_sum3A_292 : vector<8xf32> to vector<1x8xf32>
    %add3A_294 = arith.addf %add3A_246, %broadcast_in_dim3A_293 : vector<1x8xf32>
    %add3A_295 = vector.broadcast %dot_general3A_108 : vector<1x8xf32> to vector<256x8xf32>
    %add3A_296 = arith.addf %add3A_295, %add3A_290 : vector<256x8xf32>
    %slice3A_297 = vector.extract_strided_slice %iota3A {offsets = [768, 0], sizes = [256, 8], strides = [1, 1]} : vector<2048x8xi32> to vector<256x8xi32>
    %slice3A_298 = vector.extract_strided_slice %broadcast_in_dim3A_14 {offsets = [768, 0], sizes = [256, 1], strides = [1, 1]} : vector<2048x1xi32> to vector<256x1xi32>
    %slice3A_299 = vector.extract_strided_slice %broadcast_in_dim3A_30 {offsets = [768, 0], sizes = [256, 1], strides = [1, 1]} : vector<2048x1xi32> to vector<256x1xi32>
    %eq3A_300 = vector.broadcast %slice3A_298 : vector<256x1xi32> to vector<256x8xi32>
    %eq3A_301 = arith.cmpi eq, %slice3A_297, %eq3A_300 : vector<256x8xi32>
    %jit3A_302 = arith.constant 0.000000e+00 : f32
    %broadcast_in_dim3A_303 = vector.broadcast %jit3A_302 : f32 to vector<256x8xf32>
    %select_n3A_304 = arith.select %eq3A_301, %add3A_296, %broadcast_in_dim3A_303 : vector<256x8xi1>, vector<256x8xf32>
    %reduce_sum3A_305 = arith.constant dense<0.000000e+00> : vector<256xf32>
    %reduce_sum3A_306 = vector.multi_reduction <add>, %select_n3A_304, %reduce_sum3A_305 [1] : vector<256x8xf32> to vector<256xf32>
    %broadcast_in_dim3A_307 = vector.shape_cast %reduce_sum3A_306 : vector<256xf32> to vector<256x1xf32>
    %eq3A_308 = vector.broadcast %slice3A_299 : vector<256x1xi32> to vector<256x8xi32>
    %eq3A_309 = arith.cmpi eq, %slice3A_297, %eq3A_308 : vector<256x8xi32>
    %jit3A_310 = arith.constant 0.000000e+00 : f32
    %broadcast_in_dim3A_311 = vector.broadcast %jit3A_310 : f32 to vector<256x8xf32>
    %select_n3A_312 = arith.select %eq3A_309, %add3A_296, %broadcast_in_dim3A_311 : vector<256x8xi1>, vector<256x8xf32>
    %reduce_sum3A_313 = arith.constant dense<0.000000e+00> : vector<256xf32>
    %reduce_sum3A_314 = vector.multi_reduction <add>, %select_n3A_312, %reduce_sum3A_313 [1] : vector<256x8xf32> to vector<256xf32>
    %broadcast_in_dim3A_315 = vector.shape_cast %reduce_sum3A_314 : vector<256xf32> to vector<256x1xf32>
    %slice3A_316 = vector.extract_strided_slice %eq3A_56 {offsets = [768, 0], sizes = [256, 8], strides = [1, 1]} : vector<2048x8xi1> to vector<256x8xi1>
    %jit3A_317 = arith.constant 0.000000e+00 : f32
    %broadcast_in_dim3A_318 = vector.shape_cast %broadcast_in_dim3A_307 : vector<256x1xf32> to vector<256x1xf32>
    %broadcast_in_dim3A_319 = vector.broadcast %broadcast_in_dim3A_318 : vector<256x1xf32> to vector<256x8xf32>
    %broadcast_in_dim3A_320 = vector.broadcast %jit3A_317 : f32 to vector<256x8xf32>
    %select_n3A_321 = arith.select %slice3A_316, %broadcast_in_dim3A_319, %broadcast_in_dim3A_320 : vector<256x8xi1>, vector<256x8xf32>
    %slice3A_322 = vector.extract_strided_slice %eq3A_59 {offsets = [768, 0], sizes = [256, 8], strides = [1, 1]} : vector<2048x8xi1> to vector<256x8xi1>
    %jit3A_323 = arith.constant 0.000000e+00 : f32
    %broadcast_in_dim3A_324 = vector.shape_cast %broadcast_in_dim3A_315 : vector<256x1xf32> to vector<256x1xf32>
    %broadcast_in_dim3A_325 = vector.broadcast %broadcast_in_dim3A_324 : vector<256x1xf32> to vector<256x8xf32>
    %broadcast_in_dim3A_326 = vector.broadcast %jit3A_323 : f32 to vector<256x8xf32>
    %select_n3A_327 = arith.select %slice3A_322, %broadcast_in_dim3A_325, %broadcast_in_dim3A_326 : vector<256x8xi1>, vector<256x8xf32>
    %add3A_328 = arith.addf %select_n3A_321, %select_n3A_327 : vector<256x8xf32>
    %convert_element_type3A_329 = arith.fptosi %add3A_328 : vector<256x8xf32> to vector<256x8xi32>
    %swap3A_330 = arith.constant 768 : index
    %swap3A_331 = arith.constant 0 : index
    %swap3A_332 = vector.load %arg5[%swap3A_330, %swap3A_331] : memref<2048x8xi32, #tpu.memory_space<vmem>>, vector<256x8xi32>
    tpu.vector_store %arg5[%swap3A_330, %swap3A_331], %convert_element_type3A_329 {strides = array<i32>} : memref<2048x8xi32, #tpu.memory_space<vmem>>, vector<256x8xi32>,
    %slice3A_333 = vector.extract_strided_slice %add3A_88 {offsets = [1024, 0], sizes = [256, 8], strides = [1, 1]} : vector<2048x8xf32> to vector<256x8xf32>
    %convert_element_type3A_334 = arith.truncf %slice3A_333 : vector<256x8xf32> to vector<256x8xbf16>
    %dot_general3A_335 = arith.constant dense<0.000000e+00> : vector<256x8xf32>
    %dot_general3A_336 = tpu.matmul %convert_element_type3A_139, %convert_element_type3A_334, %dot_general3A_335 {dimension_numbers = #tpu.dot_dimension_numbers<[1], [0], [0], [1], [0, 0, 1, 1], [], []>, transpose_lhs_hint = false} : vector<256x256xbf16>, vector<256x8xbf16>, vector<256x8xf32> -> vector<256x8xf32>
    %add3A_337 = vector.broadcast %add3A_294 : vector<1x8xf32> to vector<256x8xf32>
    %add3A_338 = arith.addf %dot_general3A_336, %add3A_337 : vector<256x8xf32>
    %reduce_sum3A_339 = arith.constant dense<0.000000e+00> : vector<8xf32>
    %reduce_sum3A_340 = vector.multi_reduction <add>, %slice3A_333, %reduce_sum3A_339 [0] : vector<256x8xf32> to vector<8xf32>
    %broadcast_in_dim3A_341 = vector.shape_cast %reduce_sum3A_340 : vector<8xf32> to vector<1x8xf32>
    %add3A_342 = arith.addf %add3A_294, %broadcast_in_dim3A_341 : vector<1x8xf32>
    %add3A_343 = vector.broadcast %dot_general3A_108 : vector<1x8xf32> to vector<256x8xf32>
    %add3A_344 = arith.addf %add3A_343, %add3A_338 : vector<256x8xf32>
    %slice3A_345 = vector.extract_strided_slice %iota3A {offsets = [1024, 0], sizes = [256, 8], strides = [1, 1]} : vector<2048x8xi32> to vector<256x8xi32>
    %slice3A_346 = vector.extract_strided_slice %broadcast_in_dim3A_14 {offsets = [1024, 0], sizes = [256, 1], strides = [1, 1]} : vector<2048x1xi32> to vector<256x1xi32>
    %slice3A_347 = vector.extract_strided_slice %broadcast_in_dim3A_30 {offsets = [1024, 0], sizes = [256, 1], strides = [1, 1]} : vector<2048x1xi32> to vector<256x1xi32>
    %eq3A_348 = vector.broadcast %slice3A_346 : vector<256x1xi32> to vector<256x8xi32>
    %eq3A_349 = arith.cmpi eq, %slice3A_345, %eq3A_348 : vector<256x8xi32>
    %jit3A_350 = arith.constant 0.000000e+00 : f32
    %broadcast_in_dim3A_351 = vector.broadcast %jit3A_350 : f32 to vector<256x8xf32>
    %select_n3A_352 = arith.select %eq3A_349, %add3A_344, %broadcast_in_dim3A_351 : vector<256x8xi1>, vector<256x8xf32>
    %reduce_sum3A_353 = arith.constant dense<0.000000e+00> : vector<256xf32>
    %reduce_sum3A_354 = vector.multi_reduction <add>, %select_n3A_352, %reduce_sum3A_353 [1] : vector<256x8xf32> to vector<256xf32>
    %broadcast_in_dim3A_355 = vector.shape_cast %reduce_sum3A_354 : vector<256xf32> to vector<256x1xf32>
    %eq3A_356 = vector.broadcast %slice3A_347 : vector<256x1xi32> to vector<256x8xi32>
    %eq3A_357 = arith.cmpi eq, %slice3A_345, %eq3A_356 : vector<256x8xi32>
    %jit3A_358 = arith.constant 0.000000e+00 : f32
    %broadcast_in_dim3A_359 = vector.broadcast %jit3A_358 : f32 to vector<256x8xf32>
    %select_n3A_360 = arith.select %eq3A_357, %add3A_344, %broadcast_in_dim3A_359 : vector<256x8xi1>, vector<256x8xf32>
    %reduce_sum3A_361 = arith.constant dense<0.000000e+00> : vector<256xf32>
    %reduce_sum3A_362 = vector.multi_reduction <add>, %select_n3A_360, %reduce_sum3A_361 [1] : vector<256x8xf32> to vector<256xf32>
    %broadcast_in_dim3A_363 = vector.shape_cast %reduce_sum3A_362 : vector<256xf32> to vector<256x1xf32>
    %slice3A_364 = vector.extract_strided_slice %eq3A_56 {offsets = [1024, 0], sizes = [256, 8], strides = [1, 1]} : vector<2048x8xi1> to vector<256x8xi1>
    %jit3A_365 = arith.constant 0.000000e+00 : f32
    %broadcast_in_dim3A_366 = vector.shape_cast %broadcast_in_dim3A_355 : vector<256x1xf32> to vector<256x1xf32>
    %broadcast_in_dim3A_367 = vector.broadcast %broadcast_in_dim3A_366 : vector<256x1xf32> to vector<256x8xf32>
    %broadcast_in_dim3A_368 = vector.broadcast %jit3A_365 : f32 to vector<256x8xf32>
    %select_n3A_369 = arith.select %slice3A_364, %broadcast_in_dim3A_367, %broadcast_in_dim3A_368 : vector<256x8xi1>, vector<256x8xf32>
    %slice3A_370 = vector.extract_strided_slice %eq3A_59 {offsets = [1024, 0], sizes = [256, 8], strides = [1, 1]} : vector<2048x8xi1> to vector<256x8xi1>
    %jit3A_371 = arith.constant 0.000000e+00 : f32
    %broadcast_in_dim3A_372 = vector.shape_cast %broadcast_in_dim3A_363 : vector<256x1xf32> to vector<256x1xf32>
    %broadcast_in_dim3A_373 = vector.broadcast %broadcast_in_dim3A_372 : vector<256x1xf32> to vector<256x8xf32>
    %broadcast_in_dim3A_374 = vector.broadcast %jit3A_371 : f32 to vector<256x8xf32>
    %select_n3A_375 = arith.select %slice3A_370, %broadcast_in_dim3A_373, %broadcast_in_dim3A_374 : vector<256x8xi1>, vector<256x8xf32>
    %add3A_376 = arith.addf %select_n3A_369, %select_n3A_375 : vector<256x8xf32>
    %convert_element_type3A_377 = arith.fptosi %add3A_376 : vector<256x8xf32> to vector<256x8xi32>
    %swap3A_378 = arith.constant 1024 : index
    %swap3A_379 = arith.constant 0 : index
    %swap3A_380 = vector.load %arg5[%swap3A_378, %swap3A_379] : memref<2048x8xi32, #tpu.memory_space<vmem>>, vector<256x8xi32>
    tpu.vector_store %arg5[%swap3A_378, %swap3A_379], %convert_element_type3A_377 {strides = array<i32>} : memref<2048x8xi32, #tpu.memory_space<vmem>>, vector<256x8xi32>,
    %slice3A_381 = vector.extract_strided_slice %add3A_88 {offsets = [1280, 0], sizes = [256, 8], strides = [1, 1]} : vector<2048x8xf32> to vector<256x8xf32>
    %convert_element_type3A_382 = arith.truncf %slice3A_381 : vector<256x8xf32> to vector<256x8xbf16>
    %dot_general3A_383 = arith.constant dense<0.000000e+00> : vector<256x8xf32>
    %dot_general3A_384 = tpu.matmul %convert_element_type3A_139, %convert_element_type3A_382, %dot_general3A_383 {dimension_numbers = #tpu.dot_dimension_numbers<[1], [0], [0], [1], [0, 0, 1, 1], [], []>, transpose_lhs_hint = false} : vector<256x256xbf16>, vector<256x8xbf16>, vector<256x8xf32> -> vector<256x8xf32>
    %add3A_385 = vector.broadcast %add3A_342 : vector<1x8xf32> to vector<256x8xf32>
    %add3A_386 = arith.addf %dot_general3A_384, %add3A_385 : vector<256x8xf32>
    %reduce_sum3A_387 = arith.constant dense<0.000000e+00> : vector<8xf32>
    %reduce_sum3A_388 = vector.multi_reduction <add>, %slice3A_381, %reduce_sum3A_387 [0] : vector<256x8xf32> to vector<8xf32>
    %broadcast_in_dim3A_389 = vector.shape_cast %reduce_sum3A_388 : vector<8xf32> to vector<1x8xf32>
    %add3A_390 = arith.addf %add3A_342, %broadcast_in_dim3A_389 : vector<1x8xf32>
    %add3A_391 = vector.broadcast %dot_general3A_108 : vector<1x8xf32> to vector<256x8xf32>
    %add3A_392 = arith.addf %add3A_391, %add3A_386 : vector<256x8xf32>
    %slice3A_393 = vector.extract_strided_slice %iota3A {offsets = [1280, 0], sizes = [256, 8], strides = [1, 1]} : vector<2048x8xi32> to vector<256x8xi32>
    %slice3A_394 = vector.extract_strided_slice %broadcast_in_dim3A_14 {offsets = [1280, 0], sizes = [256, 1], strides = [1, 1]} : vector<2048x1xi32> to vector<256x1xi32>
    %slice3A_395 = vector.extract_strided_slice %broadcast_in_dim3A_30 {offsets = [1280, 0], sizes = [256, 1], strides = [1, 1]} : vector<2048x1xi32> to vector<256x1xi32>
    %eq3A_396 = vector.broadcast %slice3A_394 : vector<256x1xi32> to vector<256x8xi32>
    %eq3A_397 = arith.cmpi eq, %slice3A_393, %eq3A_396 : vector<256x8xi32>
    %jit3A_398 = arith.constant 0.000000e+00 : f32
    %broadcast_in_dim3A_399 = vector.broadcast %jit3A_398 : f32 to vector<256x8xf32>
    %select_n3A_400 = arith.select %eq3A_397, %add3A_392, %broadcast_in_dim3A_399 : vector<256x8xi1>, vector<256x8xf32>
    %reduce_sum3A_401 = arith.constant dense<0.000000e+00> : vector<256xf32>
    %reduce_sum3A_402 = vector.multi_reduction <add>, %select_n3A_400, %reduce_sum3A_401 [1] : vector<256x8xf32> to vector<256xf32>
    %broadcast_in_dim3A_403 = vector.shape_cast %reduce_sum3A_402 : vector<256xf32> to vector<256x1xf32>
    %eq3A_404 = vector.broadcast %slice3A_395 : vector<256x1xi32> to vector<256x8xi32>
    %eq3A_405 = arith.cmpi eq, %slice3A_393, %eq3A_404 : vector<256x8xi32>
    %jit3A_406 = arith.constant 0.000000e+00 : f32
    %broadcast_in_dim3A_407 = vector.broadcast %jit3A_406 : f32 to vector<256x8xf32>
    %select_n3A_408 = arith.select %eq3A_405, %add3A_392, %broadcast_in_dim3A_407 : vector<256x8xi1>, vector<256x8xf32>
    %reduce_sum3A_409 = arith.constant dense<0.000000e+00> : vector<256xf32>
    %reduce_sum3A_410 = vector.multi_reduction <add>, %select_n3A_408, %reduce_sum3A_409 [1] : vector<256x8xf32> to vector<256xf32>
    %broadcast_in_dim3A_411 = vector.shape_cast %reduce_sum3A_410 : vector<256xf32> to vector<256x1xf32>
    %slice3A_412 = vector.extract_strided_slice %eq3A_56 {offsets = [1280, 0], sizes = [256, 8], strides = [1, 1]} : vector<2048x8xi1> to vector<256x8xi1>
    %jit3A_413 = arith.constant 0.000000e+00 : f32
    %broadcast_in_dim3A_414 = vector.shape_cast %broadcast_in_dim3A_403 : vector<256x1xf32> to vector<256x1xf32>
    %broadcast_in_dim3A_415 = vector.broadcast %broadcast_in_dim3A_414 : vector<256x1xf32> to vector<256x8xf32>
    %broadcast_in_dim3A_416 = vector.broadcast %jit3A_413 : f32 to vector<256x8xf32>
    %select_n3A_417 = arith.select %slice3A_412, %broadcast_in_dim3A_415, %broadcast_in_dim3A_416 : vector<256x8xi1>, vector<256x8xf32>
    %slice3A_418 = vector.extract_strided_slice %eq3A_59 {offsets = [1280, 0], sizes = [256, 8], strides = [1, 1]} : vector<2048x8xi1> to vector<256x8xi1>
    %jit3A_419 = arith.constant 0.000000e+00 : f32
    %broadcast_in_dim3A_420 = vector.shape_cast %broadcast_in_dim3A_411 : vector<256x1xf32> to vector<256x1xf32>
    %broadcast_in_dim3A_421 = vector.broadcast %broadcast_in_dim3A_420 : vector<256x1xf32> to vector<256x8xf32>
    %broadcast_in_dim3A_422 = vector.broadcast %jit3A_419 : f32 to vector<256x8xf32>
    %select_n3A_423 = arith.select %slice3A_418, %broadcast_in_dim3A_421, %broadcast_in_dim3A_422 : vector<256x8xi1>, vector<256x8xf32>
    %add3A_424 = arith.addf %select_n3A_417, %select_n3A_423 : vector<256x8xf32>
    %convert_element_type3A_425 = arith.fptosi %add3A_424 : vector<256x8xf32> to vector<256x8xi32>
    %swap3A_426 = arith.constant 1280 : index
    %swap3A_427 = arith.constant 0 : index
    %swap3A_428 = vector.load %arg5[%swap3A_426, %swap3A_427] : memref<2048x8xi32, #tpu.memory_space<vmem>>, vector<256x8xi32>
    tpu.vector_store %arg5[%swap3A_426, %swap3A_427], %convert_element_type3A_425 {strides = array<i32>} : memref<2048x8xi32, #tpu.memory_space<vmem>>, vector<256x8xi32>,
    %slice3A_429 = vector.extract_strided_slice %add3A_88 {offsets = [1536, 0], sizes = [256, 8], strides = [1, 1]} : vector<2048x8xf32> to vector<256x8xf32>
    %convert_element_type3A_430 = arith.truncf %slice3A_429 : vector<256x8xf32> to vector<256x8xbf16>
    %dot_general3A_431 = arith.constant dense<0.000000e+00> : vector<256x8xf32>
    %dot_general3A_432 = tpu.matmul %convert_element_type3A_139, %convert_element_type3A_430, %dot_general3A_431 {dimension_numbers = #tpu.dot_dimension_numbers<[1], [0], [0], [1], [0, 0, 1, 1], [], []>, transpose_lhs_hint = false} : vector<256x256xbf16>, vector<256x8xbf16>, vector<256x8xf32> -> vector<256x8xf32>
    %add3A_433 = vector.broadcast %add3A_390 : vector<1x8xf32> to vector<256x8xf32>
    %add3A_434 = arith.addf %dot_general3A_432, %add3A_433 : vector<256x8xf32>
    %reduce_sum3A_435 = arith.constant dense<0.000000e+00> : vector<8xf32>
    %reduce_sum3A_436 = vector.multi_reduction <add>, %slice3A_429, %reduce_sum3A_435 [0] : vector<256x8xf32> to vector<8xf32>
    %broadcast_in_dim3A_437 = vector.shape_cast %reduce_sum3A_436 : vector<8xf32> to vector<1x8xf32>
    %add3A_438 = arith.addf %add3A_390, %broadcast_in_dim3A_437 : vector<1x8xf32>
    %add3A_439 = vector.broadcast %dot_general3A_108 : vector<1x8xf32> to vector<256x8xf32>
    %add3A_440 = arith.addf %add3A_439, %add3A_434 : vector<256x8xf32>
    %slice3A_441 = vector.extract_strided_slice %iota3A {offsets = [1536, 0], sizes = [256, 8], strides = [1, 1]} : vector<2048x8xi32> to vector<256x8xi32>
    %slice3A_442 = vector.extract_strided_slice %broadcast_in_dim3A_14 {offsets = [1536, 0], sizes = [256, 1], strides = [1, 1]} : vector<2048x1xi32> to vector<256x1xi32>
    %slice3A_443 = vector.extract_strided_slice %broadcast_in_dim3A_30 {offsets = [1536, 0], sizes = [256, 1], strides = [1, 1]} : vector<2048x1xi32> to vector<256x1xi32>
    %eq3A_444 = vector.broadcast %slice3A_442 : vector<256x1xi32> to vector<256x8xi32>
    %eq3A_445 = arith.cmpi eq, %slice3A_441, %eq3A_444 : vector<256x8xi32>
    %jit3A_446 = arith.constant 0.000000e+00 : f32
    %broadcast_in_dim3A_447 = vector.broadcast %jit3A_446 : f32 to vector<256x8xf32>
    %select_n3A_448 = arith.select %eq3A_445, %add3A_440, %broadcast_in_dim3A_447 : vector<256x8xi1>, vector<256x8xf32>
    %reduce_sum3A_449 = arith.constant dense<0.000000e+00> : vector<256xf32>
    %reduce_sum3A_450 = vector.multi_reduction <add>, %select_n3A_448, %reduce_sum3A_449 [1] : vector<256x8xf32> to vector<256xf32>
    %broadcast_in_dim3A_451 = vector.shape_cast %reduce_sum3A_450 : vector<256xf32> to vector<256x1xf32>
    %eq3A_452 = vector.broadcast %slice3A_443 : vector<256x1xi32> to vector<256x8xi32>
    %eq3A_453 = arith.cmpi eq, %slice3A_441, %eq3A_452 : vector<256x8xi32>
    %jit3A_454 = arith.constant 0.000000e+00 : f32
    %broadcast_in_dim3A_455 = vector.broadcast %jit3A_454 : f32 to vector<256x8xf32>
    %select_n3A_456 = arith.select %eq3A_453, %add3A_440, %broadcast_in_dim3A_455 : vector<256x8xi1>, vector<256x8xf32>
    %reduce_sum3A_457 = arith.constant dense<0.000000e+00> : vector<256xf32>
    %reduce_sum3A_458 = vector.multi_reduction <add>, %select_n3A_456, %reduce_sum3A_457 [1] : vector<256x8xf32> to vector<256xf32>
    %broadcast_in_dim3A_459 = vector.shape_cast %reduce_sum3A_458 : vector<256xf32> to vector<256x1xf32>
    %slice3A_460 = vector.extract_strided_slice %eq3A_56 {offsets = [1536, 0], sizes = [256, 8], strides = [1, 1]} : vector<2048x8xi1> to vector<256x8xi1>
    %jit3A_461 = arith.constant 0.000000e+00 : f32
    %broadcast_in_dim3A_462 = vector.shape_cast %broadcast_in_dim3A_451 : vector<256x1xf32> to vector<256x1xf32>
    %broadcast_in_dim3A_463 = vector.broadcast %broadcast_in_dim3A_462 : vector<256x1xf32> to vector<256x8xf32>
    %broadcast_in_dim3A_464 = vector.broadcast %jit3A_461 : f32 to vector<256x8xf32>
    %select_n3A_465 = arith.select %slice3A_460, %broadcast_in_dim3A_463, %broadcast_in_dim3A_464 : vector<256x8xi1>, vector<256x8xf32>
    %slice3A_466 = vector.extract_strided_slice %eq3A_59 {offsets = [1536, 0], sizes = [256, 8], strides = [1, 1]} : vector<2048x8xi1> to vector<256x8xi1>
    %jit3A_467 = arith.constant 0.000000e+00 : f32
    %broadcast_in_dim3A_468 = vector.shape_cast %broadcast_in_dim3A_459 : vector<256x1xf32> to vector<256x1xf32>
    %broadcast_in_dim3A_469 = vector.broadcast %broadcast_in_dim3A_468 : vector<256x1xf32> to vector<256x8xf32>
    %broadcast_in_dim3A_470 = vector.broadcast %jit3A_467 : f32 to vector<256x8xf32>
    %select_n3A_471 = arith.select %slice3A_466, %broadcast_in_dim3A_469, %broadcast_in_dim3A_470 : vector<256x8xi1>, vector<256x8xf32>
    %add3A_472 = arith.addf %select_n3A_465, %select_n3A_471 : vector<256x8xf32>
    %convert_element_type3A_473 = arith.fptosi %add3A_472 : vector<256x8xf32> to vector<256x8xi32>
    %swap3A_474 = arith.constant 1536 : index
    %swap3A_475 = arith.constant 0 : index
    %swap3A_476 = vector.load %arg5[%swap3A_474, %swap3A_475] : memref<2048x8xi32, #tpu.memory_space<vmem>>, vector<256x8xi32>
    tpu.vector_store %arg5[%swap3A_474, %swap3A_475], %convert_element_type3A_473 {strides = array<i32>} : memref<2048x8xi32, #tpu.memory_space<vmem>>, vector<256x8xi32>,
    %slice3A_477 = vector.extract_strided_slice %add3A_88 {offsets = [1792, 0], sizes = [256, 8], strides = [1, 1]} : vector<2048x8xf32> to vector<256x8xf32>
    %convert_element_type3A_478 = arith.truncf %slice3A_477 : vector<256x8xf32> to vector<256x8xbf16>
    %dot_general3A_479 = arith.constant dense<0.000000e+00> : vector<256x8xf32>
    %dot_general3A_480 = tpu.matmul %convert_element_type3A_139, %convert_element_type3A_478, %dot_general3A_479 {dimension_numbers = #tpu.dot_dimension_numbers<[1], [0], [0], [1], [0, 0, 1, 1], [], []>, transpose_lhs_hint = false} : vector<256x256xbf16>, vector<256x8xbf16>, vector<256x8xf32> -> vector<256x8xf32>
    %add3A_481 = vector.broadcast %add3A_438 : vector<1x8xf32> to vector<256x8xf32>
    %add3A_482 = arith.addf %dot_general3A_480, %add3A_481 : vector<256x8xf32>
    %add3A_483 = vector.broadcast %dot_general3A_108 : vector<1x8xf32> to vector<256x8xf32>
    %add3A_484 = arith.addf %add3A_483, %add3A_482 : vector<256x8xf32>
    %slice3A_485 = vector.extract_strided_slice %iota3A {offsets = [1792, 0], sizes = [256, 8], strides = [1, 1]} : vector<2048x8xi32> to vector<256x8xi32>
    %slice3A_486 = vector.extract_strided_slice %broadcast_in_dim3A_14 {offsets = [1792, 0], sizes = [256, 1], strides = [1, 1]} : vector<2048x1xi32> to vector<256x1xi32>
    %slice3A_487 = vector.extract_strided_slice %broadcast_in_dim3A_30 {offsets = [1792, 0], sizes = [256, 1], strides = [1, 1]} : vector<2048x1xi32> to vector<256x1xi32>
    %eq3A_488 = vector.broadcast %slice3A_486 : vector<256x1xi32> to vector<256x8xi32>
    %eq3A_489 = arith.cmpi eq, %slice3A_485, %eq3A_488 : vector<256x8xi32>
    %jit3A_490 = arith.constant 0.000000e+00 : f32
    %broadcast_in_dim3A_491 = vector.broadcast %jit3A_490 : f32 to vector<256x8xf32>
    %select_n3A_492 = arith.select %eq3A_489, %add3A_484, %broadcast_in_dim3A_491 : vector<256x8xi1>, vector<256x8xf32>
    %reduce_sum3A_493 = arith.constant dense<0.000000e+00> : vector<256xf32>
    %reduce_sum3A_494 = vector.multi_reduction <add>, %select_n3A_492, %reduce_sum3A_493 [1] : vector<256x8xf32> to vector<256xf32>
    %broadcast_in_dim3A_495 = vector.shape_cast %reduce_sum3A_494 : vector<256xf32> to vector<256x1xf32>
    %eq3A_496 = vector.broadcast %slice3A_487 : vector<256x1xi32> to vector<256x8xi32>
    %eq3A_497 = arith.cmpi eq, %slice3A_485, %eq3A_496 : vector<256x8xi32>
    %jit3A_498 = arith.constant 0.000000e+00 : f32
    %broadcast_in_dim3A_499 = vector.broadcast %jit3A_498 : f32 to vector<256x8xf32>
    %select_n3A_500 = arith.select %eq3A_497, %add3A_484, %broadcast_in_dim3A_499 : vector<256x8xi1>, vector<256x8xf32>
    %reduce_sum3A_501 = arith.constant dense<0.000000e+00> : vector<256xf32>
    %reduce_sum3A_502 = vector.multi_reduction <add>, %select_n3A_500, %reduce_sum3A_501 [1] : vector<256x8xf32> to vector<256xf32>
    %broadcast_in_dim3A_503 = vector.shape_cast %reduce_sum3A_502 : vector<256xf32> to vector<256x1xf32>
    %slice3A_504 = vector.extract_strided_slice %eq3A_56 {offsets = [1792, 0], sizes = [256, 8], strides = [1, 1]} : vector<2048x8xi1> to vector<256x8xi1>
    %jit3A_505 = arith.constant 0.000000e+00 : f32
    %broadcast_in_dim3A_506 = vector.shape_cast %broadcast_in_dim3A_495 : vector<256x1xf32> to vector<256x1xf32>
    %broadcast_in_dim3A_507 = vector.broadcast %broadcast_in_dim3A_506 : vector<256x1xf32> to vector<256x8xf32>
    %broadcast_in_dim3A_508 = vector.broadcast %jit3A_505 : f32 to vector<256x8xf32>
    %select_n3A_509 = arith.select %slice3A_504, %broadcast_in_dim3A_507, %broadcast_in_dim3A_508 : vector<256x8xi1>, vector<256x8xf32>
    %slice3A_510 = vector.extract_strided_slice %eq3A_59 {offsets = [1792, 0], sizes = [256, 8], strides = [1, 1]} : vector<2048x8xi1> to vector<256x8xi1>
    %jit3A_511 = arith.constant 0.000000e+00 : f32
    %broadcast_in_dim3A_512 = vector.shape_cast %broadcast_in_dim3A_503 : vector<256x1xf32> to vector<256x1xf32>
    %broadcast_in_dim3A_513 = vector.broadcast %broadcast_in_dim3A_512 : vector<256x1xf32> to vector<256x8xf32>
    %broadcast_in_dim3A_514 = vector.broadcast %jit3A_511 : f32 to vector<256x8xf32>
    %select_n3A_515 = arith.select %slice3A_510, %broadcast_in_dim3A_513, %broadcast_in_dim3A_514 : vector<256x8xi1>, vector<256x8xf32>
    %add3A_516 = arith.addf %select_n3A_509, %select_n3A_515 : vector<256x8xf32>
    %convert_element_type3A_517 = arith.fptosi %add3A_516 : vector<256x8xf32> to vector<256x8xi32>
    %swap3A_518 = arith.constant 1792 : index
    %swap3A_519 = arith.constant 0 : index
    %swap3A_520 = vector.load %arg5[%swap3A_518, %swap3A_519] : memref<2048x8xi32, #tpu.memory_space<vmem>>, vector<256x8xi32>
    tpu.vector_store %arg5[%swap3A_518, %swap3A_519], %convert_element_type3A_517 {strides = array<i32>} : memref<2048x8xi32, #tpu.memory_space<vmem>>, vector<256x8xi32>,
    return
  }
}

module attributes {stable_mosaic.version = 14 : i64} {
  func.func @_expert_body(%arg0: i32, %arg1: memref<24xi32, #tpu.memory_space<smem>>, %arg2: memref<256x768xf32, #tpu.memory_space<vmem>>, %arg3: memref<1x768x768xbf16, #tpu.memory_space<vmem>>, %arg4: memref<1x768x768xbf16, #tpu.memory_space<vmem>>, %arg5: memref<1x1x768xf32, #tpu.memory_space<vmem>>, %arg6: memref<1x1x768xf32, #tpu.memory_space<vmem>>, %arg7: memref<1x768x768xbf16, #tpu.memory_space<vmem>>, %arg8: memref<1x1x768xf32, #tpu.memory_space<vmem>>, %arg9: memref<256x768xf32, #tpu.memory_space<vmem>>) attributes {dimension_semantics = [#tpu.dimension_semantics<arbitrary>], iteration_bounds = array<i64: 24>, scalar_prefetch = 1 : i64, scratch_operands = 0 : i64, tpu.core_type = #tpu.core_type<tc>, window_params = [{transform_indices = @transform_0, window_bounds = array<i64: 256, 768>}, {transform_indices = @transform_1, window_bounds = array<i64: 1, 768, 768>}, {transform_indices = @transform_2, window_bounds = array<i64: 1, 768, 768>}, {transform_indices = @transform_3, window_bounds = array<i64: 1, 1, 768>}, {transform_indices = @transform_4, window_bounds = array<i64: 1, 1, 768>}, {transform_indices = @transform_5, window_bounds = array<i64: 1, 768, 768>}, {transform_indices = @transform_6, window_bounds = array<i64: 1, 1, 768>}, {transform_indices = @transform_7, window_bounds = array<i64: 256, 768>}]} {
    %get3A = arith.constant 0 : index
    %get3A_0 = arith.constant 0 : index
    %get3A_1 = vector.load %arg2[%get3A, %get3A_0] : memref<256x768xf32, #tpu.memory_space<vmem>>, vector<256x768xf32>
    %convert_element_type3A = arith.truncf %get3A_1 : vector<256x768xf32> to vector<256x768xbf16>
    %get3A_2 = arith.constant 0 : index
    %get3A_3 = arith.constant 0 : index
    %get3A_4 = arith.constant 0 : index
    %get3A_5 = vector.load %arg3[%get3A_2, %get3A_3, %get3A_4] : memref<1x768x768xbf16, #tpu.memory_space<vmem>>, vector<1x768x768xbf16>
    %get3A_6 = vector.shape_cast %get3A_5 : vector<1x768x768xbf16> to vector<768x768xbf16>
    %dot_general3A = arith.constant dense<0.000000e+00> : vector<256x768xf32>
    %dot_general3A_7 = tpu.matmul %convert_element_type3A, %get3A_6, %dot_general3A {dimension_numbers = #tpu.dot_dimension_numbers<[1], [0], [0], [1], [0, 0, 1, 1], [], []>, transpose_lhs_hint = false} : vector<256x768xbf16>, vector<768x768xbf16>, vector<256x768xf32> -> vector<256x768xf32>
    %get3A_8 = arith.constant 0 : index
    %get3A_9 = arith.constant 0 : index
    %get3A_10 = arith.constant 0 : index
    %get3A_11 = vector.load %arg5[%get3A_8, %get3A_9, %get3A_10] : memref<1x1x768xf32, #tpu.memory_space<vmem>>, vector<1x1x768xf32>
    %get3A_12 = vector.shape_cast %get3A_11 : vector<1x1x768xf32> to vector<1x768xf32>
    %add3A = vector.broadcast %get3A_12 : vector<1x768xf32> to vector<256x768xf32>
    %add3A_13 = arith.addf %dot_general3A_7, %add3A : vector<256x768xf32>
    %get3A_14 = arith.constant 0 : index
    %get3A_15 = arith.constant 0 : index
    %get3A_16 = arith.constant 0 : index
    %get3A_17 = vector.load %arg4[%get3A_14, %get3A_15, %get3A_16] : memref<1x768x768xbf16, #tpu.memory_space<vmem>>, vector<1x768x768xbf16>
    %get3A_18 = vector.shape_cast %get3A_17 : vector<1x768x768xbf16> to vector<768x768xbf16>
    %dot_general3A_19 = arith.constant dense<0.000000e+00> : vector<256x768xf32>
    %dot_general3A_20 = tpu.matmul %convert_element_type3A, %get3A_18, %dot_general3A_19 {dimension_numbers = #tpu.dot_dimension_numbers<[1], [0], [0], [1], [0, 0, 1, 1], [], []>, transpose_lhs_hint = false} : vector<256x768xbf16>, vector<768x768xbf16>, vector<256x768xf32> -> vector<256x768xf32>
    %get3A_21 = arith.constant 0 : index
    %get3A_22 = arith.constant 0 : index
    %get3A_23 = arith.constant 0 : index
    %get3A_24 = vector.load %arg6[%get3A_21, %get3A_22, %get3A_23] : memref<1x1x768xf32, #tpu.memory_space<vmem>>, vector<1x1x768xf32>
    %get3A_25 = vector.shape_cast %get3A_24 : vector<1x1x768xf32> to vector<1x768xf32>
    %add3A_26 = vector.broadcast %get3A_25 : vector<1x768xf32> to vector<256x768xf32>
    %add3A_27 = arith.addf %dot_general3A_20, %add3A_26 : vector<256x768xf32>
    %min3A = arith.constant 7.000000e+00 : f32
    %min3A_28 = vector.broadcast %min3A : f32 to vector<256x768xf32>
    %min3A_29 = arith.minimumf %add3A_13, %min3A_28 : vector<256x768xf32>
    %jit3A = arith.constant -7.000000e+00 : f32
    %jit3A_30 = arith.constant 7.000000e+00 : f32
    %max3A = vector.broadcast %jit3A : f32 to vector<256x768xf32>
    %max3A_31 = arith.maximumf %max3A, %add3A_27 : vector<256x768xf32>
    %min3A_32 = vector.broadcast %jit3A_30 : f32 to vector<256x768xf32>
    %min3A_33 = arith.minimumf %min3A_32, %max3A_31 : vector<256x768xf32>
    %mul3A = arith.constant 1.702000e+00 : f32
    %mul3A_34 = vector.broadcast %mul3A : f32 to vector<256x768xf32>
    %mul3A_35 = arith.mulf %min3A_29, %mul3A_34 : vector<256x768xf32>
    %logistic3A = arith.negf %mul3A_35 : vector<256x768xf32>
    %logistic3A_36 = math.exp %logistic3A : vector<256x768xf32>
    %logistic3A_37 = arith.constant 1.000000e+00 : f32
    %logistic3A_38 = vector.broadcast %logistic3A_37 : f32 to vector<256x768xf32>
    %logistic3A_39 = arith.addf %logistic3A_38, %logistic3A_36 : vector<256x768xf32>
    %logistic3A_40 = arith.divf %logistic3A_38, %logistic3A_39 : vector<256x768xf32>
    %mul3A_41 = arith.mulf %min3A_29, %logistic3A_40 : vector<256x768xf32>
    %add3A_42 = arith.constant 1.000000e+00 : f32
    %add3A_43 = vector.broadcast %add3A_42 : f32 to vector<256x768xf32>
    %add3A_44 = arith.addf %min3A_33, %add3A_43 : vector<256x768xf32>
    %mul3A_45 = arith.mulf %add3A_44, %mul3A_41 : vector<256x768xf32>
    %convert_element_type3A_46 = arith.truncf %mul3A_45 : vector<256x768xf32> to vector<256x768xbf16>
    %get3A_47 = arith.constant 0 : index
    %get3A_48 = arith.constant 0 : index
    %get3A_49 = arith.constant 0 : index
    %get3A_50 = vector.load %arg7[%get3A_47, %get3A_48, %get3A_49] : memref<1x768x768xbf16, #tpu.memory_space<vmem>>, vector<1x768x768xbf16>
    %get3A_51 = vector.shape_cast %get3A_50 : vector<1x768x768xbf16> to vector<768x768xbf16>
    %dot_general3A_52 = arith.constant dense<0.000000e+00> : vector<256x768xf32>
    %dot_general3A_53 = tpu.matmul %convert_element_type3A_46, %get3A_51, %dot_general3A_52 {dimension_numbers = #tpu.dot_dimension_numbers<[1], [0], [0], [1], [0, 0, 1, 1], [], []>, transpose_lhs_hint = false} : vector<256x768xbf16>, vector<768x768xbf16>, vector<256x768xf32> -> vector<256x768xf32>
    %get3A_54 = arith.constant 0 : index
    %get3A_55 = arith.constant 0 : index
    %get3A_56 = arith.constant 0 : index
    %get3A_57 = vector.load %arg8[%get3A_54, %get3A_55, %get3A_56] : memref<1x1x768xf32, #tpu.memory_space<vmem>>, vector<1x1x768xf32>
    %get3A_58 = vector.shape_cast %get3A_57 : vector<1x1x768xf32> to vector<1x768xf32>
    %add3A_59 = vector.broadcast %get3A_58 : vector<1x768xf32> to vector<256x768xf32>
    %add3A_60 = arith.addf %dot_general3A_53, %add3A_59 : vector<256x768xf32>
    %swap3A = arith.constant 0 : index
    %swap3A_61 = arith.constant 0 : index
    %swap3A_62 = vector.load %arg9[%swap3A, %swap3A_61] : memref<256x768xf32, #tpu.memory_space<vmem>>, vector<256x768xf32>
    tpu.vector_store %arg9[%swap3A, %swap3A_61], %add3A_60 {strides = array<i32>} : memref<256x768xf32, #tpu.memory_space<vmem>>, vector<256x768xf32>,
    return
  }
  func.func @transform_0(%arg0: i32, %arg1: memref<24xi32, #tpu.memory_space<smem>>) -> (i32, i32) {
    %c0_i32 = arith.constant 0 : i32
    %c0_i32_0 = arith.constant 0 : i32
    return %arg0, %c0_i32 : i32, i32
  }
  func.func @transform_1(%arg0: i32, %arg1: memref<24xi32, #tpu.memory_space<smem>>) -> (i32, i32, i32) {
    %get3A = arith.index_cast %arg0 : i32 to index
    %get3A_0 = memref.load %arg1[%get3A] : memref<24xi32, #tpu.memory_space<smem>>
    %c0_i32 = arith.constant 0 : i32
    %c0_i32_1 = arith.constant 0 : i32
    %c0_i32_2 = arith.constant 0 : i32
    return %get3A_0, %c0_i32, %c0_i32_1 : i32, i32, i32
  }
  func.func @transform_2(%arg0: i32, %arg1: memref<24xi32, #tpu.memory_space<smem>>) -> (i32, i32, i32) {
    %get3A = arith.index_cast %arg0 : i32 to index
    %get3A_0 = memref.load %arg1[%get3A] : memref<24xi32, #tpu.memory_space<smem>>
    %c0_i32 = arith.constant 0 : i32
    %c0_i32_1 = arith.constant 0 : i32
    %c0_i32_2 = arith.constant 0 : i32
    return %get3A_0, %c0_i32, %c0_i32_1 : i32, i32, i32
  }
  func.func @transform_3(%arg0: i32, %arg1: memref<24xi32, #tpu.memory_space<smem>>) -> (i32, i32, i32) {
    %get3A = arith.index_cast %arg0 : i32 to index
    %get3A_0 = memref.load %arg1[%get3A] : memref<24xi32, #tpu.memory_space<smem>>
    %c0_i32 = arith.constant 0 : i32
    %c0_i32_1 = arith.constant 0 : i32
    %c0_i32_2 = arith.constant 0 : i32
    return %get3A_0, %c0_i32, %c0_i32_1 : i32, i32, i32
  }
  func.func @transform_4(%arg0: i32, %arg1: memref<24xi32, #tpu.memory_space<smem>>) -> (i32, i32, i32) {
    %get3A = arith.index_cast %arg0 : i32 to index
    %get3A_0 = memref.load %arg1[%get3A] : memref<24xi32, #tpu.memory_space<smem>>
    %c0_i32 = arith.constant 0 : i32
    %c0_i32_1 = arith.constant 0 : i32
    %c0_i32_2 = arith.constant 0 : i32
    return %get3A_0, %c0_i32, %c0_i32_1 : i32, i32, i32
  }
  func.func @transform_5(%arg0: i32, %arg1: memref<24xi32, #tpu.memory_space<smem>>) -> (i32, i32, i32) {
    %get3A = arith.index_cast %arg0 : i32 to index
    %get3A_0 = memref.load %arg1[%get3A] : memref<24xi32, #tpu.memory_space<smem>>
    %c0_i32 = arith.constant 0 : i32
    %c0_i32_1 = arith.constant 0 : i32
    %c0_i32_2 = arith.constant 0 : i32
    return %get3A_0, %c0_i32, %c0_i32_1 : i32, i32, i32
  }
  func.func @transform_6(%arg0: i32, %arg1: memref<24xi32, #tpu.memory_space<smem>>) -> (i32, i32, i32) {
    %get3A = arith.index_cast %arg0 : i32 to index
    %get3A_0 = memref.load %arg1[%get3A] : memref<24xi32, #tpu.memory_space<smem>>
    %c0_i32 = arith.constant 0 : i32
    %c0_i32_1 = arith.constant 0 : i32
    %c0_i32_2 = arith.constant 0 : i32
    return %get3A_0, %c0_i32, %c0_i32_1 : i32, i32, i32
  }
  func.func @transform_7(%arg0: i32, %arg1: memref<24xi32, #tpu.memory_space<smem>>) -> (i32, i32) {
    %c0_i32 = arith.constant 0 : i32
    %c0_i32_0 = arith.constant 0 : i32
    return %arg0, %c0_i32 : i32, i32
  }
}

</mosaic_0001>

<sc_bundles>
// kernel: kernel.6.cloned.1.call-start
scs
__scs_entry_jumppad:
0x0: {  	(pc) =	sbr.rel $0x88, $3  }
0x1: {  	(tag) =	ssettag $0x0;
	lr =	simm.s32 $0x1  }
0x2: {  	[smem:$0x3F9A] =	sst lr;
	_ =	strace $0xD0000000  }
0x3: {  	_ = 	snop  }
0x4: {  	_ = 	snop  }
0x5: {  	_ = 	snop  }
0x6: {  	_ = 	snop  }
0x7: {  	_ = 	snop  }
__scs_overlays_trampoline_lowered:
0x8: {  	[smem:$0x3FA9] =	sst s0  }
0x9: {  	[smem:$0x3FAA] =	sst s1  }
0xa: {  	[smem:$0x3FAB] =	sst s2  }
0xb: {  	[smem:$0x3FAC] =	sst s3  }
0xc: {  	[smem:$0x3FAD] =	sst s4  }
0xd: {  	[smem:$0x3FAE] =	sst s5  }
0xe: {  	[smem:$0x3FAF] =	sst s6  }
0xf: {  	[smem:$0x3FB0] =	sst s7  }
0x10: {  	[smem:$0x3FB1] =	sst s8  }
0x11: {  	[smem:$0x3FB2] =	sst s9;
	s0 =	simm.s32 @!p0 $0x0  }
0x12: {  	s1 =	sld [smem:$0x3F98];
	s0 =	simm.s32 @p0 $0x1  }
0x13: {  	[smem:$0x3FB3] =	sst s0;
	s0 =	simm.s32 @!p1 $0x0  }
0x14: {  	s2 =	sld [smem:$0x3F97];
	s0 =	simm.s32 @p1 $0x1  }
0x15: {  	[smem:$0x3FB4] =	sst s0;
	s0 =	simm.s32 @!p2 $0x0  }
0x16: {  	s3 =	sld [smem:$0x3FDB];
	s0 =	simm.s32 @p2 $0x1  }
0x17: {  	s4 =	simm.s32 $0x1BF5;
	[smem:$0x3FB6] =	sst s0  }
0x18: {  	s0 =	sld [smem:$0x3F99];
	_ =	swait.ge [sflag:s4], $0x0  }
0x19: {  	s7 =	sld [smem:$0x3F9A]  }
0x1a: {  	s8 =	sadd.s32 $0xFFFFE003, lr  }
0x1b: {  	s9 =	sadd.s32 $0xFFFFFEF7, lr;
	s5 =	simm.s32 $0xFFFFFFFF;
	p2 =	slt.u32 s8, $0xFFFFF086  }
0x1c: {  	p1 =	slt.u32 s9, $0xF7A;
	s5 =	simm.s32 @!p2 $0x0  }
0x1d: {  	s5 =	simm.s32 @p1 $0x1;
	p0 =	seq.s32 s7, s2  }
0x1e: {  	s7 =	smul.u32 @!p0 $0xF7A, s2;
	p2 =	seq.s32 @!p0 s5, $0x0  }
0x1f: {  	s9 =	smul.u32 $0xF7A, s1;
	s8 =	simm.s32 @!p0 $0x1BF5;
	p2 =	por !p2, p0  }
0x20: {  	[sflag:s8] =	ssyncset.s32 @!p0 $0xFFFFF086;
	s6 =	sadd.s32 @!p0 s3, s7;
	s7 =	simm.s32 @!p0 $0x108  }
0x21: {  	s3 =	sadd.s32 s3, s9;
	s6 =	sadd.s32 @!p0 $0x88, s6;
	s7 =	simm.s32 @p2 $0x1082  }
0x22: {  	[simem:s7], [sflag:s8] =	dma.local @!p0 [hbm:s6], $0xF7A  }
0x23: {  	s9 =	sor.u32 $0xD0000000, s2;
	s6 =	simm.s32 $0x108;
	_ =	swait.ge @!p0 [sflag:s8], $0x0  }
0x24: {  	s3 =	sadd.s32 $0x88, s3;
	s6 =	simm.s32 @!p1 $0x1082;
	[sflag:s4] =	ssyncset.s32 $0xFFFFF086  }
0x25: {  	[simem:s6], [sflag:s4] =	dma.local [hbm:s3], $0xF7A  }
0x26: {  	[smem:$0x3F9A] =	sst s1;
	(tag) =	ssettag s2;
	_ =	strace s9  }
0x27: {  	s1 =	sld [smem:$0x3FAA]  }
0x28: {  	s2 =	sld [smem:$0x3FAB]  }
0x29: {  	s4 =	sld [smem:$0x3FAD]  }
0x2a: {  	p0 =	seq.s32 s5, $0x0;
	s5 =	sld [smem:$0x3FAE]  }
0x2b: {  	s6 =	sld [smem:$0x3FAF]  }
0x2c: {  	s7 =	sld [smem:$0x3FB0]  }
0x2d: {  	s3 =	simm.s32 $0x108;
	s8 =	sld [smem:$0x3FB1]  }
0x2e: {  	s3 =	simm.s32 @!p0 $0x1082;
	s9 =	sld [smem:$0x3FB2]  }
0x2f: {  	lr =	sadd.s32 s0, s3;
	s0 =	sld [smem:$0x3FA9]  }
0x30: {  	s3 =	sld [smem:$0x3FAC]  }
0x31: {  	[smem:$0x3FB5] =	sst s10  }
0x32: {  	s10 =	sld [smem:$0x3FB3];
	_ =	sdelay $0x3  }
0x33: {  	p0 =	seq.s32 s10, $0x1;
	s10 =	sld [smem:$0x3FB5];
	_ =	sdelay $0x3  }
0x34: {  	[smem:$0x3FB5] =	sst s10  }
0x35: {  	s10 =	sld [smem:$0x3FB4];
	_ =	sdelay $0x3  }
0x36: {  	p1 =	seq.s32 s10, $0x1;
	s10 =	sld [smem:$0x3FB5];
	_ =	sdelay $0x3  }
0x37: {  	[smem:$0x3FB5] =	sst s10  }
0x38: {  	s10 =	sld [smem:$0x3FB6]  }
0x39: {  	_ = 	snop;
	(pc) =	sbr.ind lr, $3  }
0x3a: {  	_ = 	snop  }
0x3b: {  	_ = 	snop  }
0x3c: {  	p2 =	seq.s32 s10, $0x1;
	s10 =	sld [smem:$0x3FB5]  }
0x3d: {  	_ =	shalt  }
0x3e: {  	_ =	shalt  }
0x3f: {  	_ =	shalt  }
0x40: {  	_ =	shalt  }
0x41: {  	_ =	shalt  }
0x42: {  	_ =	shalt  }
0x43: {  	_ =	shalt  }
0x44: {  	_ =	shalt  }
0x45: {  	_ =	shalt  }
0x46: {  	_ =	shalt  }
0x47: {  	_ =	shalt  }
0x48: {  	_ =	shalt  }
0x49: {  	_ =	shalt  }
0x4a: {  	_ =	shalt  }
0x4b: {  	_ =	shalt  }
0x4c: {  	_ =	shalt  }
0x4d: {  	_ =	shalt  }
0x4e: {  	_ =	shalt  }
0x4f: {  	_ =	shalt  }
0x50: {  	_ =	shalt  }
0x51: {  	_ =	shalt  }
0x52: {  	_ =	shalt  }
0x53: {  	_ =	shalt  }
0x54: {  	_ =	shalt  }
0x55: {  	_ =	shalt  }
0x56: {  	_ =	shalt  }
0x57: {  	_ =	shalt  }
0x58: {  	_ =	shalt  }
0x59: {  	_ =	shalt  }
0x5a: {  	_ =	shalt  }
0x5b: {  	_ =	shalt  }
0x5c: {  	_ =	shalt  }
0x5d: {  	_ =	shalt  }
0x5e: {  	_ =	shalt  }
0x5f: {  	_ =	shalt  }
0x60: {  	_ =	shalt  }
0x61: {  	_ =	shalt  }
0x62: {  	_ =	shalt  }
0x63: {  	_ =	shalt  }
0x64: {  	_ =	shalt  }
0x65: {  	_ =	shalt  }
0x66: {  	_ =	shalt  }
0x67: {  	_ =	shalt  }
0x68: {  	_ =	shalt  }
0x69: {  	_ =	shalt  }
0x6a: {  	_ =	shalt  }
0x6b: {  	_ =	shalt  }
0x6c: {  	_ =	shalt  }
0x6d: {  	_ =	shalt  }
0x6e: {  	_ =	shalt  }
0x6f: {  	_ =	shalt  }
0x70: {  	_ =	shalt  }
0x71: {  	_ =	shalt  }
0x72: {  	_ =	shalt  }
0x73: {  	_ =	shalt  }
0x74: {  	_ =	shalt  }
0x75: {  	_ =	shalt  }
0x76: {  	_ =	shalt  }
0x77: {  	_ =	shalt  }
0x78: {  	_ =	shalt  }
0x79: {  	_ =	shalt  }
0x7a: {  	_ =	shalt  }
0x7b: {  	_ =	shalt  }
0x7c: {  	_ =	shalt  }
0x7d: {  	_ =	shalt  }
0x7e: {  	_ =	shalt  }
0x7f: {  	_ =	shalt  }
0x80: {  	_ =	shalt  }
0x81: {  	_ =	shalt  }
0x82: {  	_ =	shalt  }
0x83: {  	_ =	shalt  }
0x84: {  	_ =	shalt  }
0x85: {  	_ =	shalt  }
0x86: {  	_ =	shalt  }
0x87: {  	_ =	shalt  }
.Lfunc_end0:
.L_simem_size_0:
called_computation_lowered:
.L_overlay_start_0:
0x88: {  	s2 =	sld [smem:$0x3FD9]  }
0x89: {  	s3 =	sld [smem:$0x3FFE];
	_ =	sdelay $0x1  }
0x8a: {  	s1 =	srdreg.scid  }
0x8b: {  	s0 =	sand.u32 $0x1, s1  }
0x8c: {  	s17 =	sshll.u32 s0, $0xA;
	s2 =	sadd.s32 s3, s2  }
0x8d: {  	s2 =	sadd.s32 s2, s17  }
0x8e: {  	[smem:$0x3FC1] =	sst s2  }
0x8f: {  	_ = 	snop  }
0x90: {  	s2 =	sld [smem:$0x3FC9];
	(tm) =	ssettm $0x1  }
0x91: {  	s18 =	sld [smem:$0x3FFB];
	_ =	sdelay $0x3  }
0x92: {  	_ =	strace s18  }
0x93: {  	s3 =	sld [smem:$0x3FFC];
	_ =	sdelay $0x3  }
0x94: {  	_ =	strace s3  }
0x95: {  	s3 =	sld [smem:$0x3FFD];
	_ =	sdelay $0x3  }
0x96: {  	_ =	strace s3  }
0x97: {  	_ =	strace $0x8FFFFFFF  }
0x98: {  	s19 =	sld [smem:$0x3FDB];
	_ =	sdelay $0x1  }
0x99: {  	s4 =	simm.s32 $_scs_section_size  }
0x9a: {  	s5 =	simm.s32 $_size__tile_overlayer_lowered;
	s6 =	simm.s32 $_tile_overlayer_lowered  }
0x9b: {  	s22 =	simm.s32 $0x1BFF;
	s21 =	sshll.u32 s6, $0x1;
	s3 =	sadd.s32 s4, s19  }
0x9c: {  	s7 =	simm.s32 $0x0;
	s20 =	sshll.u32 s5, $0x1;
	s5 =	sadd.s32 s21, s3  }
0x9d: {  	[timem:s7], [sflag:s22] =	dma.local [hbm:s5], s20  }
0x9e: {  	_ =	swait.ge [sflag:s22], s20  }
0x9f: {  	s4 =	ssub.s32 $0x0, s20;
	[sflag:s22] =	ssyncset.done $0x0  }
0xa0: {  	[sflag:s22] =	ssyncadd.s32 s4;
	_ =	sdelay $0x1  }
0xa1: {  	s23 =	simm.s32 $0x1B8B  }
0xa2: {  	_ =	swait.ge [sflag:s23], $0x1  }
0xa3: {  	[sflag:s23] =	ssyncset.done $0x0  }
0xa4: {  	s25 =	simm.s32 $0x1B8E;
	s24 =	sld [smem:$0x3FFE];
	[sflag:s23] =	ssyncadd.s32 $0xFFFFFFFF  }
0xa5: {  	s26 =	simm.s32 $execute0_lowered;
	[smem:$0x3FD2] =	sst s25  }
0xa6: {  	s5 =	sshll.u32 s26, $0x1;
	_ =	strace $0x80000046;
	[dreg:$0x1] =	wrdreg $0xFFFFFFFF  }
0xa7: {  	s28 =	simm.s32 $_size_execute0_lowered;
	s3 =	sadd.s32 s3, s5;
	[dreg:$0x0] =	wrdreg $0x0  }
0xa8: {  	s5 =	sshll.u32 s28, $0x1;
	[dreg:$0x2] =	wrdreg s3  }
0xa9: {  	[dreg:$0x3] =	wrdreg s5  }
0xaa: {  	[dreg:$0x4] =	wrdreg $0xC0  }
0xab: {  	_ =	task [dreg:s7], $0x5FFFF  }
0xac: {  	[dreg:$0x1] =	wrdreg $0xFFFFFFFF  }
0xad: {  	[dreg:$0x0] =	wrdreg $0x60  }
0xae: {  	[dreg:$0x2] =	wrdreg s2  }
0xaf: {  	[dreg:$0x3] =	wrdreg s24  }
0xb0: {  	[dreg:$0x4] =	wrdreg $0x9  }
0xb1: {  	_ =	task.clear_ibuf [dreg:s7], $0x5FFFF;
	_ =	strace $0x90000046  }
0xb2: {  	s29 =	simm.s32 $0x9;
	_ =	strace $0x80000048  }
0xb3: {  	_ =	swait.ge [sflag:s29], $0x1  }
0xb4: {  	[sflag:s29] =	ssyncadd.s32 $0xFFFFFFFF  }
0xb5: {  	_ =	strace $0x90000048  }
0xb6: {  	_ =	sfence  }
0xb7: {  	s30 =	sld [smem:$0x0];
	_ =	sdelay $0x2  }
0xb8: {  	s31 =	sshll.u32 s1, $0xD;
	s1 =	sshrl.u32 s1, $0x2  }
0xb9: {  	s3 =	sand.u32 $0x4000, s31;
	s1 =	sadd.s32 s1, s30  }
0xba: {  	s0 =	sor.u32 s3, s0;
	s1 =	sshll.u32 s1, $0x11  }
0xbb: {  	s0 =	sor.u32 s1, s0  }
0xbc: {  	s0 =	sadd.s32 $0x8F2B, s0  }
0xbd: {  	[sflag:s0] =	ssyncadd.remote.s32 $0x1  }
0xbe: {  	_ =	sfence.sel $0xFFFF  }
0xbf: {  	[dreg:$0x0] =	wrdreg $0xFFFFFFFF;
	(pc) =	sbr.abs _section_cstart, $3  }
0xc0: {  	[dreg:$0x1] =	wrdreg $0xFFFFFFFF  }
0xc1: {  	_ =	task.clear_ibuf [dreg:s7], $0x2FFFF;
	_ =	strace $0x9FFFFFFF  }
0xc2: {  	(tm) =	ssettm $0x7FFFFFFF  }
0xc3: {  	_ =	shalt  }
tec
execute0_lowered:
.L_overlay_start_1:
0x0: {  	(tag) =	ssettag $0x1  }
0x1: {  	s0 =	srdreg.scid;
	s1 =	rddreg [dreg:$0x0]  }
0x2: {  	s2 =	stileid.u32;
	s6 =	rddreg [dreg:$0x1];
	s25 =	simm.s32 $0xC000  }
0x3: {  	s26 =	simm.s32 $0xC080;
	s8 =	simm.s32 $0x2;
	s10 =	simm.s32 $0x1000  }
0x4: {  	s11 =	simm.s32 $0x1800;
	s12 =	simm.s32 $0x2000;
	s13 =	simm.s32 $0x2800  }
0x5: {  	s14 =	simm.s32 $0x3000;
	s15 =	simm.s32 $0x3800;
	s16 =	simm.s32 $0x4000  }
0x6: {  	s17 =	simm.s32 $0x4800;
	s18 =	simm.s32 $0x5000;
	s19 =	simm.s32 $0x5800  }
0x7: {  	s20 =	simm.s32 $0x6000;
	s21 =	simm.s32 $0x6800;
	s22 =	simm.s32 $0x7000  }
0x8: {  	s23 =	simm.s32 $0x7800;
	s28 =	simm.s32 $0x9800;
	s29 =	simm.s32 $0xA000  }
0x9: {  	s30 =	simm.s32 $0xA800;
	s31 =	simm.s32 $0xB000;
	s0 =	sand.u32 $0x1, s0  }
0xa: {  	s3 =	sshll.u32 s2, $0x4;
	s2 =	simm.s32 $0x0;
	s4 =	sshll.u32 s0, $0x3  }
0xb: {  	[smem:$0x7FF] =	sst s2;
	s0 =	ssub.s32 $0x2, s0;
	s4 =	sor.u32 s4, s3  }
0xc: {  	_ =	strace $0x80000047;
	s3 =	sadd.s32 $0x400, s6;
	[dreg:$0x5] =	wrdreg s25  }
0xd: {  	s7 =	sshrl.u32 s0, $0x1;
	[dreg:$0x6] =	wrdreg s26;
	s25 =	simm.s32 $0x8800  }
0xe: {  	s26 =	simm.s32 $0x9000;
	s5 =	smul.u32 $0x300, s4;
	s4 =	sadd.s32 s6, s4  }
0xf: {  	s0 =	ssub.s32 s0, s7;
	[dreg:$0x7] =	wrdreg s4;
	s24 =	sadd.s32 $0x200, s4  }
0x10: {  	v2 =	vlaneseq.u32;
	s7 =	smax.u32 s0, $0x1;
	s0 =	simm.s32 $0x1;
	s1 =	sadd.s32 s1, s5  }
0x11: {  	vm0 =	vmmov $0xffff;
	v1 =	vshrl.u32 v2, $0x3;
	[dreg:$0x4] =	wrdreg s24;
	s5 =	sadd.s32 $0x500, s6;
	s6 =	sadd.s32 $0x600, s6  }
0x12: {  	v0 =	vand.u32 $0x7, v2;
	v2 =	vor.u32 $0x8, v2;
	v1 =	vmul.u32 $0x8, v1;
	s24 =	simm.s32 $0x8000;
	[dreg:$0x3] =	wrdreg s1;
	s1 =	simm.s32 $0xB800  }
.LBB2_1:
0x13: {  	s4 =	rddreg [dreg:$0x3]  }
0x14: {  	[tilespmem:s2], [sflag:$0x2] =	stream.linear.gather [hbm4b:s4+s2], $0xC000, $0x38;
	[tilespmem:$0xC100] =	vst v63  }
0x15: {  	_ =	swait.ge [sflag:s8], $0xC000  }
0x16: {  	s4 =	rddreg [dreg:$0x4];
	[sflag:s8] =	ssyncset.done $0x0  }
0x17: {  	s9 =	rddreg [dreg:$0x5];
	[sflag:s8] =	ssyncadd.s32 $0xFFFF4000  }
0x18: {  	[tilespmem:s9], [sflag:$0x2] =	stream.linear.gather [hbm4b:s4+s2], $0x40, $0x38;
	[tilespmem:$0xC100] =	vst v63  }
0x19: {  	_ =	swait.ge [sflag:s8], $0x40  }
0x1a: {  	s4 =	rddreg [dreg:$0x6];
	[sflag:s8] =	ssyncset.done $0x0  }
0x1b: {  	s9 =	rddreg [dreg:$0x7];
	[sflag:s8] =	ssyncadd.s32 $0xFFFFFFC0  }
0x1c: {  	[tilespmem:s4], [sflag:$0x2] =	stream.linear.gather [hbm4b:s9+s2], $0x40, $0x38;
	[tilespmem:$0xC100] =	vst v63  }
0x1d: {  	_ =	swait.ge [sflag:s8], $0x40  }
0x1e: {  	[sflag:s8] =	ssyncset.done $0x0  }
0x1f: {  	[sflag:s8] =	ssyncadd.s32 $0xFFFFFFC0  }
0x20: {  	v3 =	vld [tilespmem:$0xC000];
	_ =	sdelay $0x4  }
0x21: {  	v4 =	vshrl.u32 v3, $0x3  }
0x22: {  	v4 =	vmul.u32 $0x30, v4  }
0x23: {  	v3 =	vand.u32 $0x7, v3  }
0x24: {  	v3 =	vor.u32 v3, v4  }
0x25: {  	v4 =	vperm.xlane v3, v0;
	_ =	sdelay $0x1  }
0x26: {  	v4 =	vadd.s32 v1, v4;
	_ =	sdelay $0x3  }
0x27: {  	v3 =	vperm.xlane v3, v2  }
0x28: {  	[hbm4b:s3+s2] =	stream.indirect_vreg.scatter [tilespmem:s2], [sflag:$0x1], $0x80, v4, vm0, $0xb8;
	[tilespmem:$0xC100] =	vst v63  }
0x29: {  	s9 =	simm.s32 $0x800;
	v3 =	vadd.s32 v1, v3  }
0x2a: {  	[hbm4b:s5+s2] =	stream.indirect_vreg.scatter [tilespmem:s9], [sflag:$0x1], $0x80, v4, vm0, $0xb8;
	[tilespmem:$0xC100] =	vst v63  }
0x2b: {  	_ = 	snop  }
0x2c: {  	[hbm4b:s6+s2] =	stream.indirect_vreg.scatter [tilespmem:s10], [sflag:$0x1], $0x80, v4, vm0, $0xb8;
	[tilespmem:$0xC100] =	vst v63  }
0x2d: {  	_ = 	snop  }
0x2e: {  	[hbm4b:s3+s2] =	stream.indirect_vreg.scatter [tilespmem:s11], [sflag:$0x1], $0x80, v3, vm0, $0xb8;
	[tilespmem:$0xC100] =	vst v63  }
0x2f: {  	_ = 	snop  }
0x30: {  	[hbm4b:s5+s2] =	stream.indirect_vreg.scatter [tilespmem:s12], [sflag:$0x1], $0x80, v3, vm0, $0xb8;
	[tilespmem:$0xC100] =	vst v63  }
0x31: {  	_ = 	snop  }
0x32: {  	[hbm4b:s6+s2] =	stream.indirect_vreg.scatter [tilespmem:s13], [sflag:$0x1], $0x80, v3, vm0, $0xb8;
	[tilespmem:$0xC100] =	vst v63  }
0x33: {  	v3 =	vld [tilespmem:$0xC010];
	_ =	sdelay $0x4  }
0x34: {  	v57 =	vshrl.u32 v3, $0x3  }
0x35: {  	v4 =	vmul.u32 $0x30, v57  }
0x36: {  	v3 =	vand.u32 $0x7, v3  }
0x37: {  	v3 =	vor.u32 v3, v4  }
0x38: {  	v4 =	vperm.xlane v3, v0;
	_ =	sdelay $0x1  }
0x39: {  	v4 =	vadd.s32 v1, v4;
	_ =	sdelay $0x3  }
0x3a: {  	v3 =	vperm.xlane v3, v2  }
0x3b: {  	[hbm4b:s3+s2] =	stream.indirect_vreg.scatter [tilespmem:s14], [sflag:$0x1], $0x80, v4, vm0, $0xb8;
	[tilespmem:$0xC100] =	vst v63  }
0x3c: {  	v3 =	vadd.s32 v1, v3  }
0x3d: {  	[hbm4b:s5+s2] =	stream.indirect_vreg.scatter [tilespmem:s15], [sflag:$0x1], $0x80, v4, vm0, $0xb8;
	[tilespmem:$0xC100] =	vst v63  }
0x3e: {  	_ = 	snop  }
0x3f: {  	[hbm4b:s6+s2] =	stream.indirect_vreg.scatter [tilespmem:s16], [sflag:$0x1], $0x80, v4, vm0, $0xb8;
	[tilespmem:$0xC100] =	vst v63  }
0x40: {  	_ = 	snop  }
0x41: {  	[hbm4b:s3+s2] =	stream.indirect_vreg.scatter [tilespmem:s17], [sflag:$0x1], $0x80, v3, vm0, $0xb8;
	[tilespmem:$0xC100] =	vst v63  }
0x42: {  	_ = 	snop  }
0x43: {  	[hbm4b:s5+s2] =	stream.indirect_vreg.scatter [tilespmem:s18], [sflag:$0x1], $0x80, v3, vm0, $0xb8;
	[tilespmem:$0xC100] =	vst v63  }
0x44: {  	_ = 	snop  }
0x45: {  	[hbm4b:s6+s2] =	stream.indirect_vreg.scatter [tilespmem:s19], [sflag:$0x1], $0x80, v3, vm0, $0xb8;
	[tilespmem:$0xC100] =	vst v63  }
0x46: {  	v3 =	vld [tilespmem:$0xC020];
	_ =	sdelay $0x4  }
0x47: {  	v58 =	vshrl.u32 v3, $0x3  }
0x48: {  	v4 =	vmul.u32 $0x30, v58  }
0x49: {  	v3 =	vand.u32 $0x7, v3  }
0x4a: {  	v3 =	vor.u32 v3, v4  }
0x4b: {  	v4 =	vperm.xlane v3, v0;
	_ =	sdelay $0x1  }
0x4c: {  	v4 =	vadd.s32 v1, v4;
	_ =	sdelay $0x3  }
0x4d: {  	v3 =	vperm.xlane v3, v2  }
0x4e: {  	[hbm4b:s3+s2] =	stream.indirect_vreg.scatter [tilespmem:s20], [sflag:$0x1], $0x80, v4, vm0, $0xb8;
	[tilespmem:$0xC100] =	vst v63  }
0x4f: {  	v3 =	vadd.s32 v1, v3  }
0x50: {  	[hbm4b:s5+s2] =	stream.indirect_vreg.scatter [tilespmem:s21], [sflag:$0x1], $0x80, v4, vm0, $0xb8;
	[tilespmem:$0xC100] =	vst v63  }
0x51: {  	_ = 	snop  }
0x52: {  	[hbm4b:s6+s2] =	stream.indirect_vreg.scatter [tilespmem:s22], [sflag:$0x1], $0x80, v4, vm0, $0xb8;
	[tilespmem:$0xC100] =	vst v63  }
0x53: {  	_ = 	snop  }
0x54: {  	[hbm4b:s3+s2] =	stream.indirect_vreg.scatter [tilespmem:s23], [sflag:$0x1], $0x80, v3, vm0, $0xb8;
	[tilespmem:$0xC100] =	vst v63  }
0x55: {  	_ = 	snop  }
0x56: {  	[hbm4b:s5+s2] =	stream.indirect_vreg.scatter [tilespmem:s24], [sflag:$0x1], $0x80, v3, vm0, $0xb8;
	[tilespmem:$0xC100] =	vst v63  }
0x57: {  	_ = 	snop  }
0x58: {  	[hbm4b:s6+s2] =	stream.indirect_vreg.scatter [tilespmem:s25], [sflag:$0x1], $0x80, v3, vm0, $0xb8;
	[tilespmem:$0xC100] =	vst v63  }
0x59: {  	v3 =	vld [tilespmem:$0xC030];
	_ =	sdelay $0x4  }
0x5a: {  	v59 =	vshrl.u32 v3, $0x3  }
0x5b: {  	v4 =	vmul.u32 $0x30, v59  }
0x5c: {  	v3 =	vand.u32 $0x7, v3  }
0x5d: {  	v3 =	vor.u32 v3, v4  }
0x5e: {  	v4 =	vperm.xlane v3, v0;
	_ =	sdelay $0x1  }
0x5f: {  	v4 =	vadd.s32 v1, v4;
	_ =	sdelay $0x3  }
0x60: {  	v3 =	vperm.xlane v3, v2  }
0x61: {  	[hbm4b:s3+s2] =	stream.indirect_vreg.scatter [tilespmem:s26], [sflag:$0x1], $0x80, v4, vm0, $0xb8;
	[tilespmem:$0xC100] =	vst v63  }
0x62: {  	v3 =	vadd.s32 v1, v3  }
0x63: {  	[hbm4b:s5+s2] =	stream.indirect_vreg.scatter [tilespmem:s28], [sflag:$0x1], $0x80, v4, vm0, $0xb8;
	[tilespmem:$0xC100] =	vst v63  }
0x64: {  	_ = 	snop  }
0x65: {  	[hbm4b:s6+s2] =	stream.indirect_vreg.scatter [tilespmem:s29], [sflag:$0x1], $0x80, v4, vm0, $0xb8;
	[tilespmem:$0xC100] =	vst v63  }
0x66: {  	_ = 	snop  }
0x67: {  	[hbm4b:s3+s2] =	stream.indirect_vreg.scatter [tilespmem:s30], [sflag:$0x1], $0x80, v3, vm0, $0xb8;
	[tilespmem:$0xC100] =	vst v63  }
0x68: {  	_ = 	snop  }
0x69: {  	[hbm4b:s5+s2] =	stream.indirect_vreg.scatter [tilespmem:s31], [sflag:$0x1], $0x80, v3, vm0, $0xb8;
	[tilespmem:$0xC100] =	vst v63  }
0x6a: {  	_ = 	snop  }
0x6b: {  	[hbm4b:s6+s2] =	stream.indirect_vreg.scatter [tilespmem:s1], [sflag:$0x1], $0x80, v3, vm0, $0xb8;
	[tilespmem:$0xC100] =	vst v63  }
0x6c: {  	v3 =	vld [tilespmem:$0xC080];
	_ =	sdelay $0x4  }
0x6d: {  	v60 =	vshrl.u32 v3, $0x3  }
0x6e: {  	v4 =	vmul.u32 $0x30, v60  }
0x6f: {  	v3 =	vand.u32 $0x7, v3  }
0x70: {  	v3 =	vor.u32 v3, v4  }
0x71: {  	v4 =	vperm.xlane v3, v0;
	_ =	sdelay $0x1  }
0x72: {  	v4 =	vadd.s32 v1, v4;
	_ =	sdelay $0x3  }
0x73: {  	v3 =	vperm.xlane v3, v2  }
0x74: {  	[hbm4b:s3+s2] =	stream.indirect_vreg.scatter [tilespmem:s2], [sflag:$0x1], $0x80, v4, vm0, $0xb8;
	[tilespmem:$0xC100] =	vst v63  }
0x75: {  	v3 =	vadd.s32 v1, v3  }
0x76: {  	[hbm4b:s5+s2] =	stream.indirect_vreg.scatter [tilespmem:s9], [sflag:$0x1], $0x80, v4, vm0, $0xb8;
	[tilespmem:$0xC100] =	vst v63  }
0x77: {  	_ = 	snop  }
0x78: {  	[hbm4b:s6+s2] =	stream.indirect_vreg.scatter [tilespmem:s10], [sflag:$0x1], $0x80, v4, vm0, $0xb8;
	[tilespmem:$0xC100] =	vst v63  }
0x79: {  	_ = 	snop  }
0x7a: {  	[hbm4b:s3+s2] =	stream.indirect_vreg.scatter [tilespmem:s11], [sflag:$0x1], $0x80, v3, vm0, $0xb8;
	[tilespmem:$0xC100] =	vst v63  }
0x7b: {  	_ = 	snop  }
0x7c: {  	[hbm4b:s5+s2] =	stream.indirect_vreg.scatter [tilespmem:s12], [sflag:$0x1], $0x80, v3, vm0, $0xb8;
	[tilespmem:$0xC100] =	vst v63  }
0x7d: {  	_ = 	snop  }
0x7e: {  	[hbm4b:s6+s2] =	stream.indirect_vreg.scatter [tilespmem:s13], [sflag:$0x1], $0x80, v3, vm0, $0xb8;
	[tilespmem:$0xC100] =	vst v63  }
0x7f: {  	v3 =	vld [tilespmem:$0xC090];
	_ =	sdelay $0x4  }
0x80: {  	v61 =	vshrl.u32 v3, $0x3  }
0x81: {  	v4 =	vmul.u32 $0x30, v61  }
0x82: {  	v3 =	vand.u32 $0x7, v3  }
0x83: {  	v3 =	vor.u32 v3, v4  }
0x84: {  	v4 =	vperm.xlane v3, v0;
	_ =	sdelay $0x1  }
0x85: {  	v4 =	vadd.s32 v1, v4;
	_ =	sdelay $0x3  }
0x86: {  	v3 =	vperm.xlane v3, v2  }
0x87: {  	[hbm4b:s3+s2] =	stream.indirect_vreg.scatter [tilespmem:s14], [sflag:$0x1], $0x80, v4, vm0, $0xb8;
	[tilespmem:$0xC100] =	vst v63  }
0x88: {  	v3 =	vadd.s32 v1, v3  }
0x89: {  	[hbm4b:s5+s2] =	stream.indirect_vreg.scatter [tilespmem:s15], [sflag:$0x1], $0x80, v4, vm0, $0xb8;
	[tilespmem:$0xC100] =	vst v63  }
0x8a: {  	_ = 	snop  }
0x8b: {  	[hbm4b:s6+s2] =	stream.indirect_vreg.scatter [tilespmem:s16], [sflag:$0x1], $0x80, v4, vm0, $0xb8;
	[tilespmem:$0xC100] =	vst v63  }
0x8c: {  	_ = 	snop  }
0x8d: {  	[hbm4b:s3+s2] =	stream.indirect_vreg.scatter [tilespmem:s17], [sflag:$0x1], $0x80, v3, vm0, $0xb8;
	[tilespmem:$0xC100] =	vst v63  }
0x8e: {  	_ = 	snop  }
0x8f: {  	[hbm4b:s5+s2] =	stream.indirect_vreg.scatter [tilespmem:s18], [sflag:$0x1], $0x80, v3, vm0, $0xb8;
	[tilespmem:$0xC100] =	vst v63  }
0x90: {  	_ = 	snop  }
0x91: {  	[hbm4b:s6+s2] =	stream.indirect_vreg.scatter [tilespmem:s19], [sflag:$0x1], $0x80, v3, vm0, $0xb8;
	[tilespmem:$0xC100] =	vst v63  }
0x92: {  	v3 =	vld [tilespmem:$0xC0A0];
	_ =	sdelay $0x4  }
0x93: {  	v62 =	vshrl.u32 v3, $0x3  }
0x94: {  	v4 =	vmul.u32 $0x30, v62  }
0x95: {  	v3 =	vand.u32 $0x7, v3  }
0x96: {  	v3 =	vor.u32 v3, v4  }
0x97: {  	v4 =	vperm.xlane v3, v0;
	_ =	sdelay $0x1  }
0x98: {  	v4 =	vadd.s32 v1, v4;
	_ =	sdelay $0x3  }
0x99: {  	v3 =	vperm.xlane v3, v2  }
0x9a: {  	[hbm4b:s3+s2] =	stream.indirect_vreg.scatter [tilespmem:s20], [sflag:$0x1], $0x80, v4, vm0, $0xb8;
	[tilespmem:$0xC100] =	vst v63  }
0x9b: {  	v3 =	vadd.s32 v1, v3  }
0x9c: {  	[hbm4b:s5+s2] =	stream.indirect_vreg.scatter [tilespmem:s21], [sflag:$0x1], $0x80, v4, vm0, $0xb8;
	[tilespmem:$0xC100] =	vst v63  }
0x9d: {  	_ = 	snop  }
0x9e: {  	[hbm4b:s6+s2] =	stream.indirect_vreg.scatter [tilespmem:s22], [sflag:$0x1], $0x80, v4, vm0, $0xb8;
	[tilespmem:$0xC100] =	vst v63  }
0x9f: {  	_ = 	snop  }
0xa0: {  	[hbm4b:s3+s2] =	stream.indirect_vreg.scatter [tilespmem:s23], [sflag:$0x1], $0x80, v3, vm0, $0xb8;
	[tilespmem:$0xC100] =	vst v63  }
0xa1: {  	_ = 	snop  }
0xa2: {  	[hbm4b:s5+s2] =	stream.indirect_vreg.scatter [tilespmem:s24], [sflag:$0x1], $0x80, v3, vm0, $0xb8;
	[tilespmem:$0xC100] =	vst v63  }
0xa3: {  	_ = 	snop  }
0xa4: {  	[hbm4b:s6+s2] =	stream.indirect_vreg.scatter [tilespmem:s25], [sflag:$0x1], $0x80, v3, vm0, $0xb8;
	[tilespmem:$0xC100] =	vst v63  }
0xa5: {  	v3 =	vld [tilespmem:$0xC0B0];
	_ =	sdelay $0x4  }
0xa6: {  	v63 =	vshrl.u32 v3, $0x3  }
0xa7: {  	v4 =	vmul.u32 $0x30, v63  }
0xa8: {  	v3 =	vand.u32 $0x7, v3  }
0xa9: {  	v3 =	vor.u32 v3, v4  }
0xaa: {  	v4 =	vperm.xlane v3, v0;
	_ =	sdelay $0x1  }
0xab: {  	v4 =	vadd.s32 v1, v4;
	_ =	sdelay $0x3  }
0xac: {  	v3 =	vperm.xlane v3, v2  }
0xad: {  	[hbm4b:s3+s2] =	stream.indirect_vreg.scatter [tilespmem:s26], [sflag:$0x1], $0x80, v4, vm0, $0xb8;
	[tilespmem:$0xC100] =	vst v63  }
0xae: {  	v3 =	vadd.s32 v1, v3  }
0xaf: {  	[hbm4b:s5+s2] =	stream.indirect_vreg.scatter [tilespmem:s28], [sflag:$0x1], $0x80, v4, vm0, $0xb8;
	[tilespmem:$0xC100] =	vst v63  }
0xb0: {  	_ = 	snop  }
0xb1: {  	[hbm4b:s6+s2] =	stream.indirect_vreg.scatter [tilespmem:s29], [sflag:$0x1], $0x80, v4, vm0, $0xb8;
	[tilespmem:$0xC100] =	vst v63  }
0xb2: {  	_ = 	snop  }
0xb3: {  	[hbm4b:s3+s2] =	stream.indirect_vreg.scatter [tilespmem:s30], [sflag:$0x1], $0x80, v3, vm0, $0xb8;
	[tilespmem:$0xC100] =	vst v63  }
0xb4: {  	_ = 	snop  }
0xb5: {  	[hbm4b:s5+s2] =	stream.indirect_vreg.scatter [tilespmem:s31], [sflag:$0x1], $0x80, v3, vm0, $0xb8;
	[tilespmem:$0xC100] =	vst v63  }
0xb6: {  	_ = 	snop  }
0xb7: {  	[hbm4b:s6+s2] =	stream.indirect_vreg.scatter [tilespmem:s1], [sflag:$0x1], $0x80, v3, vm0, $0xb8;
	[tilespmem:$0xC100] =	vst v63  }
0xb8: {  	p0 =	sne.s32 s7, $0x1;
	_ =	swait.ge [sflag:s0], $0xC000  }
.Ltmp0:
0xb9: {  	[sflag:s0] =	ssyncset.done $0x0;
	(pc) =	sbr.rel @p0 .LBB2_1-.Ltmp0, $4  }
0xba: {  	[sflag:s0] =	ssyncadd.s32 $0xFFFF4000  }
0xbb: {  	_ =	swait.ge [sflag:s0], $0xC000  }
0xbc: {  	[sflag:s0] =	ssyncset.done $0x0  }
0xbd: {  	s7 =	sadd.s32 $0xFFFFFFFF, s7;
	[sflag:s0] =	ssyncadd.s32 $0xFFFF4000  }
0xbe: {  	_ =	sfence.sel $0x180000  }
0xbf: {  	[bflag:$0x0] =	sbarrier.arrive $0xFFFF  }
0xc0: {  	_ =	strace $0x90000047  }
0xc1: {  	s0 =	stileid.u32;
	[bflag:$0x2] =	sbarrier.arrive $0xFFFF  }
0xc2: {  	p0 =	sne.s32 s0, $0x0;
	s0 =	rddreg [dreg:$0x2]  }
0xc3: {  	s0 =	sadd.s32 @!p0 $0x100000, s0  }
0xc4: {  	[sflag:s0] =	ssyncadd.tile.s32 @!p0 $0x1;
	_ =	shalt  }
.Lfunc_end2:
_tile_overlayer_lowered:
.L_overlay_start_2:
0xc5: {  	(tag) =	ssettag $0x2  }
0xc6: {  	s0 =	rddreg [dreg:$0x0];
	s2 =	stileid.u32  }
0xc7: {  	s1 =	rddreg [dreg:$0x1];
	p0 =	sne.s32 s2, $0x0  }
0xc8: {  	s3 =	rddreg [dreg:$0x2];
	[bflag:$0x3] =	sbarrier.arrive $0xFFFF;
	s2 =	simm.s32 @!p0 $0x1C02  }
0xc9: {  	[timem:s3], [sflag:s2] =	dma.local @!p0 [hbm:s0], s1  }
0xca: {  	s0 =	simm.s32 @!p0 $0x2  }
0xcb: {  	_ =	swait.ge @!p0 [sflag:s0], s1  }
0xcc: {  	s1 =	ssub.s32 @!p0 $0x0, s1;
	[sflag:s0] =	ssyncset.done @!p0 $0x0  }
0xcd: {  	[sflag:s0] =	ssyncadd.s32 @!p0 s1  }
0xce: {  	[bflag:$0x3] =	sbarrier.arrive $0xFFFF  }
0xcf: {  	_ =	shalt  }

// kernel: kernel.9.cloned.1.call-start
scs
__scs_entry_jumppad:
0x0: {  	(pc) =	sbr.rel $0x88, $3  }
0x1: {  	(tag) =	ssettag $0x0;
	lr =	simm.s32 $0x1  }
0x2: {  	[smem:$0x3F9A] =	sst lr;
	_ =	strace $0xD0000000  }
0x3: {  	_ = 	snop  }
0x4: {  	_ = 	snop  }
0x5: {  	_ = 	snop  }
0x6: {  	_ = 	snop  }
0x7: {  	_ = 	snop  }
__scs_overlays_trampoline_lowered:
0x8: {  	[smem:$0x3FA9] =	sst s0  }
0x9: {  	[smem:$0x3FAA] =	sst s1  }
0xa: {  	[smem:$0x3FAB] =	sst s2  }
0xb: {  	[smem:$0x3FAC] =	sst s3  }
0xc: {  	[smem:$0x3FAD] =	sst s4  }
0xd: {  	[smem:$0x3FAE] =	sst s5  }
0xe: {  	[smem:$0x3FAF] =	sst s6  }
0xf: {  	[smem:$0x3FB0] =	sst s7  }
0x10: {  	[smem:$0x3FB1] =	sst s8  }
0x11: {  	[smem:$0x3FB2] =	sst s9;
	s0 =	simm.s32 @!p0 $0x0  }
0x12: {  	s1 =	sld [smem:$0x3F98];
	s0 =	simm.s32 @p0 $0x1  }
0x13: {  	[smem:$0x3FB3] =	sst s0;
	s0 =	simm.s32 @!p1 $0x0  }
0x14: {  	s2 =	sld [smem:$0x3F97];
	s0 =	simm.s32 @p1 $0x1  }
0x15: {  	[smem:$0x3FB4] =	sst s0;
	s0 =	simm.s32 @!p2 $0x0  }
0x16: {  	s3 =	sld [smem:$0x3FDB];
	s0 =	simm.s32 @p2 $0x1  }
0x17: {  	s4 =	simm.s32 $0x1BF5;
	[smem:$0x3FB6] =	sst s0  }
0x18: {  	s0 =	sld [smem:$0x3F99];
	_ =	swait.ge [sflag:s4], $0x0  }
0x19: {  	s7 =	sld [smem:$0x3F9A]  }
0x1a: {  	s8 =	sadd.s32 $0xFFFFE003, lr  }
0x1b: {  	s9 =	sadd.s32 $0xFFFFFEF7, lr;
	s5 =	simm.s32 $0xFFFFFFFF;
	p2 =	slt.u32 s8, $0xFFFFF086  }
0x1c: {  	p1 =	slt.u32 s9, $0xF7A;
	s5 =	simm.s32 @!p2 $0x0  }
0x1d: {  	s5 =	simm.s32 @p1 $0x1;
	p0 =	seq.s32 s7, s2  }
0x1e: {  	s7 =	smul.u32 @!p0 $0xF7A, s2;
	p2 =	seq.s32 @!p0 s5, $0x0  }
0x1f: {  	s9 =	smul.u32 $0xF7A, s1;
	s8 =	simm.s32 @!p0 $0x1BF5;
	p2 =	por !p2, p0  }
0x20: {  	[sflag:s8] =	ssyncset.s32 @!p0 $0xFFFFF086;
	s6 =	sadd.s32 @!p0 s3, s7;
	s7 =	simm.s32 @!p0 $0x108  }
0x21: {  	s3 =	sadd.s32 s3, s9;
	s6 =	sadd.s32 @!p0 $0x88, s6;
	s7 =	simm.s32 @p2 $0x1082  }
0x22: {  	[simem:s7], [sflag:s8] =	dma.local @!p0 [hbm:s6], $0xF7A  }
0x23: {  	s9 =	sor.u32 $0xD0000000, s2;
	s6 =	simm.s32 $0x108;
	_ =	swait.ge @!p0 [sflag:s8], $0x0  }
0x24: {  	s3 =	sadd.s32 $0x88, s3;
	s6 =	simm.s32 @!p1 $0x1082;
	[sflag:s4] =	ssyncset.s32 $0xFFFFF086  }
0x25: {  	[simem:s6], [sflag:s4] =	dma.local [hbm:s3], $0xF7A  }
0x26: {  	[smem:$0x3F9A] =	sst s1;
	(tag) =	ssettag s2;
	_ =	strace s9  }
0x27: {  	s1 =	sld [smem:$0x3FAA]  }
0x28: {  	s2 =	sld [smem:$0x3FAB]  }
0x29: {  	s4 =	sld [smem:$0x3FAD]  }
0x2a: {  	p0 =	seq.s32 s5, $0x0;
	s5 =	sld [smem:$0x3FAE]  }
0x2b: {  	s6 =	sld [smem:$0x3FAF]  }
0x2c: {  	s7 =	sld [smem:$0x3FB0]  }
0x2d: {  	s3 =	simm.s32 $0x108;
	s8 =	sld [smem:$0x3FB1]  }
0x2e: {  	s3 =	simm.s32 @!p0 $0x1082;
	s9 =	sld [smem:$0x3FB2]  }
0x2f: {  	lr =	sadd.s32 s0, s3;
	s0 =	sld [smem:$0x3FA9]  }
0x30: {  	s3 =	sld [smem:$0x3FAC]  }
0x31: {  	[smem:$0x3FB5] =	sst s10  }
0x32: {  	s10 =	sld [smem:$0x3FB3];
	_ =	sdelay $0x3  }
0x33: {  	p0 =	seq.s32 s10, $0x1;
	s10 =	sld [smem:$0x3FB5];
	_ =	sdelay $0x3  }
0x34: {  	[smem:$0x3FB5] =	sst s10  }
0x35: {  	s10 =	sld [smem:$0x3FB4];
	_ =	sdelay $0x3  }
0x36: {  	p1 =	seq.s32 s10, $0x1;
	s10 =	sld [smem:$0x3FB5];
	_ =	sdelay $0x3  }
0x37: {  	[smem:$0x3FB5] =	sst s10  }
0x38: {  	s10 =	sld [smem:$0x3FB6]  }
0x39: {  	_ = 	snop;
	(pc) =	sbr.ind lr, $3  }
0x3a: {  	_ = 	snop  }
0x3b: {  	_ = 	snop  }
0x3c: {  	p2 =	seq.s32 s10, $0x1;
	s10 =	sld [smem:$0x3FB5]  }
0x3d: {  	_ =	shalt  }
0x3e: {  	_ =	shalt  }
0x3f: {  	_ =	shalt  }
0x40: {  	_ =	shalt  }
0x41: {  	_ =	shalt  }
0x42: {  	_ =	shalt  }
0x43: {  	_ =	shalt  }
0x44: {  	_ =	shalt  }
0x45: {  	_ =	shalt  }
0x46: {  	_ =	shalt  }
0x47: {  	_ =	shalt  }
0x48: {  	_ =	shalt  }
0x49: {  	_ =	shalt  }
0x4a: {  	_ =	shalt  }
0x4b: {  	_ =	shalt  }
0x4c: {  	_ =	shalt  }
0x4d: {  	_ =	shalt  }
0x4e: {  	_ =	shalt  }
0x4f: {  	_ =	shalt  }
0x50: {  	_ =	shalt  }
0x51: {  	_ =	shalt  }
0x52: {  	_ =	shalt  }
0x53: {  	_ =	shalt  }
0x54: {  	_ =	shalt  }
0x55: {  	_ =	shalt  }
0x56: {  	_ =	shalt  }
0x57: {  	_ =	shalt  }
0x58: {  	_ =	shalt  }
0x59: {  	_ =	shalt  }
0x5a: {  	_ =	shalt  }
0x5b: {  	_ =	shalt  }
0x5c: {  	_ =	shalt  }
0x5d: {  	_ =	shalt  }
0x5e: {  	_ =	shalt  }
0x5f: {  	_ =	shalt  }
0x60: {  	_ =	shalt  }
0x61: {  	_ =	shalt  }
0x62: {  	_ =	shalt  }
0x63: {  	_ =	shalt  }
0x64: {  	_ =	shalt  }
0x65: {  	_ =	shalt  }
0x66: {  	_ =	shalt  }
0x67: {  	_ =	shalt  }
0x68: {  	_ =	shalt  }
0x69: {  	_ =	shalt  }
0x6a: {  	_ =	shalt  }
0x6b: {  	_ =	shalt  }
0x6c: {  	_ =	shalt  }
0x6d: {  	_ =	shalt  }
0x6e: {  	_ =	shalt  }
0x6f: {  	_ =	shalt  }
0x70: {  	_ =	shalt  }
0x71: {  	_ =	shalt  }
0x72: {  	_ =	shalt  }
0x73: {  	_ =	shalt  }
0x74: {  	_ =	shalt  }
0x75: {  	_ =	shalt  }
0x76: {  	_ =	shalt  }
0x77: {  	_ =	shalt  }
0x78: {  	_ =	shalt  }
0x79: {  	_ =	shalt  }
0x7a: {  	_ =	shalt  }
0x7b: {  	_ =	shalt  }
0x7c: {  	_ =	shalt  }
0x7d: {  	_ =	shalt  }
0x7e: {  	_ =	shalt  }
0x7f: {  	_ =	shalt  }
0x80: {  	_ =	shalt  }
0x81: {  	_ =	shalt  }
0x82: {  	_ =	shalt  }
0x83: {  	_ =	shalt  }
0x84: {  	_ =	shalt  }
0x85: {  	_ =	shalt  }
0x86: {  	_ =	shalt  }
0x87: {  	_ =	shalt  }
.Lfunc_end0:
.L_simem_size_0:
called_computation.1_lowered:
.L_overlay_start_0:
0x88: {  	s2 =	sld [smem:$0x3FD9]  }
0x89: {  	s3 =	sld [smem:$0x3FFE];
	_ =	sdelay $0x1  }
0x8a: {  	s1 =	srdreg.scid  }
0x8b: {  	s0 =	sand.u32 $0x1, s1  }
0x8c: {  	s14 =	sshll.u32 s0, $0xA;
	s2 =	sadd.s32 s3, s2  }
0x8d: {  	s2 =	sadd.s32 s2, s14  }
0x8e: {  	[smem:$0x3FC1] =	sst s2  }
0x8f: {  	_ = 	snop  }
0x90: {  	s2 =	sld [smem:$0x3FD0];
	_ =	sdelay $0x2  }
0x91: {  	s15 =	simm.s32 $0xA;
	s4 =	simm.s32 $0x10  }
0x92: {  	[smem:s4], [sflag:s15] =	dma.local [hbm:s2], $0x1  }
0x93: {  	_ =	swait.eq [sflag:s15], $0x1  }
0x94: {  	[sflag:s15] =	ssyncset.done $0x0  }
0x95: {  	[sflag:s15] =	ssyncadd.s32 $0xFFFFFFFF  }
0x96: {  	s16 =	sld [smem:$0x10];
	(tm) =	ssettm $0x1  }
0x97: {  	s17 =	sld [smem:$0x3FFB];
	_ =	sdelay $0x3  }
0x98: {  	_ =	strace s17  }
0x99: {  	s3 =	sld [smem:$0x3FFC];
	_ =	sdelay $0x3  }
0x9a: {  	_ =	strace s3  }
0x9b: {  	s3 =	sld [smem:$0x3FFD];
	_ =	sdelay $0x3  }
0x9c: {  	_ =	strace s3  }
0x9d: {  	_ =	strace $0x8FFFFFFF  }
0x9e: {  	s18 =	sld [smem:$0x3FDB];
	_ =	sdelay $0x1  }
0x9f: {  	s19 =	simm.s32 $_scs_section_size  }
0xa0: {  	s5 =	simm.s32 $_size__tile_overlayer_lowered;
	s6 =	simm.s32 $_tile_overlayer_lowered  }
0xa1: {  	s22 =	simm.s32 $0x1BFF;
	s21 =	sshll.u32 s6, $0x1;
	s3 =	sadd.s32 s19, s18  }
0xa2: {  	s7 =	simm.s32 $0x0;
	s20 =	sshll.u32 s5, $0x1;
	s5 =	sadd.s32 s21, s3  }
0xa3: {  	[timem:s7], [sflag:s22] =	dma.local [hbm:s5], s20  }
0xa4: {  	_ =	swait.ge [sflag:s22], s20  }
0xa5: {  	s4 =	ssub.s32 $0x0, s20;
	[sflag:s22] =	ssyncset.done $0x0  }
0xa6: {  	[sflag:s22] =	ssyncadd.s32 s4;
	_ =	sdelay $0x1  }
0xa7: {  	s23 =	simm.s32 $0x1B8B  }
0xa8: {  	_ =	swait.ge [sflag:s23], $0x1  }
0xa9: {  	[sflag:s23] =	ssyncset.done $0x0  }
0xaa: {  	s25 =	simm.s32 $0x1B8E;
	s24 =	sld [smem:$0x3FFE];
	[sflag:s23] =	ssyncadd.s32 $0xFFFFFFFF  }
0xab: {  	s26 =	simm.s32 $execute0_lowered;
	[smem:$0x3FD2] =	sst s25  }
0xac: {  	s5 =	sshll.u32 s26, $0x1;
	_ =	strace $0x80000049;
	[dreg:$0x1] =	wrdreg $0xFFFFFFFF  }
0xad: {  	s28 =	simm.s32 $_size_execute0_lowered;
	s3 =	sadd.s32 s3, s5;
	[dreg:$0x0] =	wrdreg $0x0  }
0xae: {  	s5 =	sshll.u32 s28, $0x1;
	[dreg:$0x2] =	wrdreg s3  }
0xaf: {  	[dreg:$0x3] =	wrdreg s5  }
0xb0: {  	[dreg:$0x4] =	wrdreg $0xC0  }
0xb1: {  	_ =	task [dreg:s7], $0x5FFFF  }
0xb2: {  	[dreg:$0x1] =	wrdreg $0xFFFFFFFF  }
0xb3: {  	[dreg:$0x0] =	wrdreg $0x60  }
0xb4: {  	[dreg:$0x2] =	wrdreg s24  }
0xb5: {  	[dreg:$0x3] =	wrdreg s16  }
0xb6: {  	[dreg:$0x4] =	wrdreg $0x9  }
0xb7: {  	_ =	task.clear_ibuf [dreg:s7], $0x5FFFF;
	_ =	strace $0x90000049  }
0xb8: {  	s29 =	simm.s32 $0x9;
	_ =	strace $0x8000004B  }
0xb9: {  	_ =	swait.ge [sflag:s29], $0x1  }
0xba: {  	[sflag:s29] =	ssyncadd.s32 $0xFFFFFFFF  }
0xbb: {  	_ =	strace $0x9000004B  }
0xbc: {  	_ =	sfence  }
0xbd: {  	s30 =	sld [smem:$0x0];
	_ =	sdelay $0x2  }
0xbe: {  	s31 =	sshll.u32 s1, $0xD;
	s1 =	sshrl.u32 s1, $0x2  }
0xbf: {  	s3 =	sand.u32 $0x4000, s31;
	s1 =	sadd.s32 s1, s30  }
0xc0: {  	s0 =	sor.u32 s3, s0;
	s1 =	sshll.u32 s1, $0x11  }
0xc1: {  	s0 =	sor.u32 s1, s0  }
0xc2: {  	s0 =	sadd.s32 $0x8F2B, s0  }
0xc3: {  	[sflag:s0] =	ssyncadd.remote.s32 $0x1  }
0xc4: {  	_ =	sfence.sel $0xFFFF  }
0xc5: {  	[dreg:$0x0] =	wrdreg $0xFFFFFFFF;
	(pc) =	sbr.abs _section_cstart, $3  }
0xc6: {  	[dreg:$0x1] =	wrdreg $0xFFFFFFFF  }
0xc7: {  	_ =	task.clear_ibuf [dreg:s7], $0x2FFFF;
	_ =	strace $0x9FFFFFFF  }
0xc8: {  	(tm) =	ssettm $0x7FFFFFFF  }
0xc9: {  	_ =	shalt  }
tec
execute0_lowered:
.L_overlay_start_1:
0x0: {  	(tag) =	ssettag $0x1  }
0x1: {  	s0 =	rddreg [dreg:$0x0]  }
0x2: {  	s1 =	rddreg [dreg:$0x1]  }
0x3: {  	s3 =	srdreg.scid;
	s2 =	simm.s32 $0x0;
	s5 =	stileid.u32  }
0x4: {  	s12 =	simm.s32 $0x2;
	s16 =	simm.s32 $0x4100;
	s15 =	simm.s32 $0x17100  }
0x5: {  	s17 =	simm.s32 $0x17900;
	s18 =	simm.s32 $0x18100;
	s19 =	simm.s32 $0x18900  }
0x6: {  	s20 =	simm.s32 $0x19100;
	s21 =	simm.s32 $0x19900;
	s22 =	simm.s32 $0x1A100  }
0x7: {  	s23 =	simm.s32 $0x1A900;
	s24 =	simm.s32 $0x1B100;
	s25 =	simm.s32 $0x1B900  }
0x8: {  	s26 =	simm.s32 $0x1;
	s28 =	simm.s32 $0x0;
	s4 =	sand.u32 $0x1, s3  }
0x9: {  	[smem:$0x7FF] =	sst s2;
	s5 =	sshll.u32 s5, $0x7;
	s6 =	sshll.u32 s4, $0x6  }
0xa: {  	s3 =	sadd.s32 $0xD8400, s0;
	s7 =	ssub.s32 $0x2, s4;
	s5 =	sor.u32 s6, s5  }
0xb: {  	_ =	strace $0x8000004A;
	s31 =	sshrl.u32 s7, $0x1;
	s6 =	sshll.u32 s5, $0x4  }
0xc: {  	s8 =	sshrl.u32 s5, $0x3;
	s11 =	ssub.s32 s7, s31;
	s9 =	sadd.s32 s6, s0  }
0xd: {  	v2 =	vlaneseq.u32;
	s4 =	sadd.s32 s0, s8;
	s10 =	smul.u32 $0x300, s8;
	s8 =	sadd.s32 $0xD8500, s0  }
0xe: {  	vm0 =	vmmov $0xffff;
	v1 =	vshrl.u32 v2, $0x3;
	s11 =	smax.u32 s11, $0x1;
	s5 =	sadd.s32 $0x200, s4;
	s6 =	sadd.s32 $0x8400, s9  }
0xf: {  	v0 =	vand.u32 $0x7, v2;
	v2 =	vor.u32 $0x8, v2;
	v1 =	vmul.u32 $0x8, v1;
	s7 =	sadd.s32 $0x400, s9;
	s9 =	sadd.s32 $0xD8600, s0;
	s10 =	sadd.s32 s1, s10  }
.LBB2_1:
0x10: {  	[tilespmem:s2], [sflag:$0x2] =	stream.linear.gather [hbm4b:s5+s2], $0x40, $0x38;
	[tilespmem:$0x1C100] =	vst v63  }
0x11: {  	_ =	swait.ge [sflag:s12], $0x40  }
0x12: {  	[sflag:s12] =	ssyncset.done $0x0  }
0x13: {  	s0 =	simm.s32 $0x80;
	[sflag:s12] =	ssyncadd.s32 $0xFFFFFFC0  }
0x14: {  	[tilespmem:s0], [sflag:$0x2] =	stream.linear.gather [hbm4b:s4+s2], $0x40, $0x38;
	[tilespmem:$0x1C100] =	vst v63  }
0x15: {  	_ =	swait.ge [sflag:s12], $0x40  }
0x16: {  	[sflag:s12] =	ssyncset.done $0x0  }
0x17: {  	s13 =	simm.s32 $0x100;
	[sflag:s12] =	ssyncadd.s32 $0xFFFFFFC0  }
0x18: {  	[tilespmem:s13], [sflag:$0x2] =	stream.linear.gather [hbm4b:s6+s2], $0x2000, $0x38;
	[tilespmem:$0x1C100] =	vst v63  }
0x19: {  	_ =	swait.ge [sflag:s12], $0x2000  }
0x1a: {  	[sflag:s12] =	ssyncset.done $0x0  }
0x1b: {  	s14 =	simm.s32 $0x2100;
	[sflag:s12] =	ssyncadd.s32 $0xFFFFE000  }
0x1c: {  	[tilespmem:s14], [sflag:$0x2] =	stream.linear.gather [hbm4b:s7+s2], $0x2000, $0x38;
	[tilespmem:$0x1C100] =	vst v63  }
0x1d: {  	_ =	swait.ge [sflag:s12], $0x2000  }
0x1e: {  	[sflag:s12] =	ssyncset.done $0x0  }
0x1f: {  	[sflag:s12] =	ssyncadd.s32 $0xFFFFE000  }
0x20: {  	v3 =	vld [tilespmem:$0x0];
	_ =	sdelay $0x4  }
0x21: {  	v4 =	vshrl.u32 v3, $0x3  }
0x22: {  	v4 =	vmul.u32 $0x30, v4  }
0x23: {  	v3 =	vand.u32 $0x7, v3  }
0x24: {  	v3 =	vor.u32 v3, v4  }
0x25: {  	v4 =	vperm.xlane v3, v0;
	_ =	sdelay $0x1  }
0x26: {  	v4 =	vadd.s32 v1, v4;
	_ =	sdelay $0x3  }
0x27: {  	v3 =	vperm.xlane v3, v2  }
0x28: {  	[tilespmem:s16], [sflag:$0x1] =	stream.indirect_vreg.gather [hbm4b:s3+s2], $0x80, v4, vm0, $0xb8;
	[tilespmem:$0x1C100] =	vst v63  }
0x29: {  	s30 =	simm.s32 $0x4900;
	v3 =	vadd.s32 v1, v3  }
0x2a: {  	[tilespmem:s30], [sflag:$0x1] =	stream.indirect_vreg.gather [hbm4b:s8+s2], $0x80, v4, vm0, $0xb8;
	[tilespmem:$0x1C100] =	vst v63  }
0x2b: {  	s31 =	simm.s32 $0x5100  }
0x2c: {  	[tilespmem:s31], [sflag:$0x1] =	stream.indirect_vreg.gather [hbm4b:s9+s2], $0x80, v4, vm0, $0xb8;
	[tilespmem:$0x1C100] =	vst v63  }
0x2d: {  	s1 =	simm.s32 $0x5900  }
0x2e: {  	[tilespmem:s1], [sflag:$0x1] =	stream.indirect_vreg.gather [hbm4b:s3+s2], $0x80, v3, vm0, $0xb8;
	[tilespmem:$0x1C100] =	vst v63  }
0x2f: {  	s13 =	simm.s32 $0x6100  }
0x30: {  	[tilespmem:s13], [sflag:$0x1] =	stream.indirect_vreg.gather [hbm4b:s8+s2], $0x80, v3, vm0, $0xb8;
	[tilespmem:$0x1C100] =	vst v63  }
0x31: {  	s14 =	simm.s32 $0x6900  }
0x32: {  	[tilespmem:s14], [sflag:$0x1] =	stream.indirect_vreg.gather [hbm4b:s9+s2], $0x80, v3, vm0, $0xb8;
	[tilespmem:$0x1C100] =	vst v63  }
0x33: {  	v3 =	vld [tilespmem:$0x10];
	_ =	sdelay $0x4  }
0x34: {  	v57 =	vshrl.u32 v3, $0x3  }
0x35: {  	v4 =	vmul.u32 $0x30, v57  }
0x36: {  	v3 =	vand.u32 $0x7, v3  }
0x37: {  	v3 =	vor.u32 v3, v4  }
0x38: {  	v4 =	vperm.xlane v3, v0;
	_ =	sdelay $0x1  }
0x39: {  	v4 =	vadd.s32 v1, v4;
	_ =	sdelay $0x3  }
0x3a: {  	s30 =	simm.s32 $0x7100;
	v3 =	vperm.xlane v3, v2  }
0x3b: {  	[tilespmem:s30], [sflag:$0x1] =	stream.indirect_vreg.gather [hbm4b:s3+s2], $0x80, v4, vm0, $0xb8;
	[tilespmem:$0x1C100] =	vst v63  }
0x3c: {  	s31 =	simm.s32 $0x7900;
	v3 =	vadd.s32 v1, v3  }
0x3d: {  	[tilespmem:s31], [sflag:$0x1] =	stream.indirect_vreg.gather [hbm4b:s8+s2], $0x80, v4, vm0, $0xb8;
	[tilespmem:$0x1C100] =	vst v63  }
0x3e: {  	s1 =	simm.s32 $0x8100  }
0x3f: {  	[tilespmem:s1], [sflag:$0x1] =	stream.indirect_vreg.gather [hbm4b:s9+s2], $0x80, v4, vm0, $0xb8;
	[tilespmem:$0x1C100] =	vst v63  }
0x40: {  	s13 =	simm.s32 $0x8900  }
0x41: {  	[tilespmem:s13], [sflag:$0x1] =	stream.indirect_vreg.gather [hbm4b:s3+s2], $0x80, v3, vm0, $0xb8;
	[tilespmem:$0x1C100] =	vst v63  }
0x42: {  	s14 =	simm.s32 $0x9100  }
0x43: {  	[tilespmem:s14], [sflag:$0x1] =	stream.indirect_vreg.gather [hbm4b:s8+s2], $0x80, v3, vm0, $0xb8;
	[tilespmem:$0x1C100] =	vst v63  }
0x44: {  	s30 =	simm.s32 $0x9900  }
0x45: {  	[tilespmem:s30], [sflag:$0x1] =	stream.indirect_vreg.gather [hbm4b:s9+s2], $0x80, v3, vm0, $0xb8;
	[tilespmem:$0x1C100] =	vst v63  }
0x46: {  	v3 =	vld [tilespmem:$0x20];
	_ =	sdelay $0x4  }
0x47: {  	v58 =	vshrl.u32 v3, $0x3  }
0x48: {  	v4 =	vmul.u32 $0x30, v58  }
0x49: {  	v3 =	vand.u32 $0x7, v3  }
0x4a: {  	v3 =	vor.u32 v3, v4  }
0x4b: {  	v4 =	vperm.xlane v3, v0;
	_ =	sdelay $0x1  }
0x4c: {  	v4 =	vadd.s32 v1, v4;
	_ =	sdelay $0x3  }
0x4d: {  	s31 =	simm.s32 $0xA100;
	v3 =	vperm.xlane v3, v2  }
0x4e: {  	[tilespmem:s31], [sflag:$0x1] =	stream.indirect_vreg.gather [hbm4b:s3+s2], $0x80, v4, vm0, $0xb8;
	[tilespmem:$0x1C100] =	vst v63  }
0x4f: {  	s1 =	simm.s32 $0xA900;
	v3 =	vadd.s32 v1, v3  }
0x50: {  	[tilespmem:s1], [sflag:$0x1] =	stream.indirect_vreg.gather [hbm4b:s8+s2], $0x80, v4, vm0, $0xb8;
	[tilespmem:$0x1C100] =	vst v63  }
0x51: {  	s13 =	simm.s32 $0xB100  }
0x52: {  	[tilespmem:s13], [sflag:$0x1] =	stream.indirect_vreg.gather [hbm4b:s9+s2], $0x80, v4, vm0, $0xb8;
	[tilespmem:$0x1C100] =	vst v63  }
0x53: {  	s14 =	simm.s32 $0xB900  }
0x54: {  	[tilespmem:s14], [sflag:$0x1] =	stream.indirect_vreg.gather [hbm4b:s3+s2], $0x80, v3, vm0, $0xb8;
	[tilespmem:$0x1C100] =	vst v63  }
0x55: {  	s30 =	simm.s32 $0xC100  }
0x56: {  	[tilespmem:s30], [sflag:$0x1] =	stream.indirect_vreg.gather [hbm4b:s8+s2], $0x80, v3, vm0, $0xb8;
	[tilespmem:$0x1C100] =	vst v63  }
0x57: {  	s31 =	simm.s32 $0xC900  }
0x58: {  	[tilespmem:s31], [sflag:$0x1] =	stream.indirect_vreg.gather [hbm4b:s9+s2], $0x80, v3, vm0, $0xb8;
	[tilespmem:$0x1C100] =	vst v63  }
0x59: {  	v3 =	vld [tilespmem:$0x30];
	_ =	sdelay $0x4  }
0x5a: {  	v59 =	vshrl.u32 v3, $0x3  }
0x5b: {  	v4 =	vmul.u32 $0x30, v59  }
0x5c: {  	v3 =	vand.u32 $0x7, v3  }
0x5d: {  	v3 =	vor.u32 v3, v4  }
0x5e: {  	v4 =	vperm.xlane v3, v0;
	_ =	sdelay $0x1  }
0x5f: {  	v4 =	vadd.s32 v1, v4;
	_ =	sdelay $0x3  }
0x60: {  	s1 =	simm.s32 $0xD100;
	v3 =	vperm.xlane v3, v2  }
0x61: {  	[tilespmem:s1], [sflag:$0x1] =	stream.indirect_vreg.gather [hbm4b:s3+s2], $0x80, v4, vm0, $0xb8;
	[tilespmem:$0x1C100] =	vst v63  }
0x62: {  	s13 =	simm.s32 $0xD900;
	v3 =	vadd.s32 v1, v3  }
0x63: {  	[tilespmem:s13], [sflag:$0x1] =	stream.indirect_vreg.gather [hbm4b:s8+s2], $0x80, v4, vm0, $0xb8;
	[tilespmem:$0x1C100] =	vst v63  }
0x64: {  	s14 =	simm.s32 $0xE100  }
0x65: {  	[tilespmem:s14], [sflag:$0x1] =	stream.indirect_vreg.gather [hbm4b:s9+s2], $0x80, v4, vm0, $0xb8;
	[tilespmem:$0x1C100] =	vst v63  }
0x66: {  	s30 =	simm.s32 $0xE900  }
0x67: {  	[tilespmem:s30], [sflag:$0x1] =	stream.indirect_vreg.gather [hbm4b:s3+s2], $0x80, v3, vm0, $0xb8;
	[tilespmem:$0x1C100] =	vst v63  }
0x68: {  	s31 =	simm.s32 $0xF100  }
0x69: {  	[tilespmem:s31], [sflag:$0x1] =	stream.indirect_vreg.gather [hbm4b:s8+s2], $0x80, v3, vm0, $0xb8;
	[tilespmem:$0x1C100] =	vst v63  }
0x6a: {  	s1 =	simm.s32 $0xF900  }
0x6b: {  	[tilespmem:s1], [sflag:$0x1] =	stream.indirect_vreg.gather [hbm4b:s9+s2], $0x80, v3, vm0, $0xb8;
	[tilespmem:$0x1C100] =	vst v63  }
0x6c: {  	v3 =	vld [tilespmem:$0x80];
	_ =	sdelay $0x4  }
0x6d: {  	v60 =	vshrl.u32 v3, $0x3  }
0x6e: {  	v4 =	vmul.u32 $0x30, v60  }
0x6f: {  	v3 =	vand.u32 $0x7, v3  }
0x70: {  	v3 =	vor.u32 v3, v4  }
0x71: {  	v4 =	vperm.xlane v3, v0;
	_ =	sdelay $0x1  }
0x72: {  	v4 =	vadd.s32 v1, v4;
	_ =	sdelay $0x3  }
0x73: {  	s13 =	simm.s32 $0x10100;
	v3 =	vperm.xlane v3, v2  }
0x74: {  	[tilespmem:s13], [sflag:$0x1] =	stream.indirect_vreg.gather [hbm4b:s3+s2], $0x80, v4, vm0, $0xb8;
	[tilespmem:$0x1C100] =	vst v63  }
0x75: {  	s14 =	simm.s32 $0x10900;
	v3 =	vadd.s32 v1, v3  }
0x76: {  	[tilespmem:s14], [sflag:$0x1] =	stream.indirect_vreg.gather [hbm4b:s8+s2], $0x80, v4, vm0, $0xb8;
	[tilespmem:$0x1C100] =	vst v63  }
0x77: {  	s30 =	simm.s32 $0x11100  }
0x78: {  	[tilespmem:s30], [sflag:$0x1] =	stream.indirect_vreg.gather [hbm4b:s9+s2], $0x80, v4, vm0, $0xb8;
	[tilespmem:$0x1C100] =	vst v63  }
0x79: {  	s31 =	simm.s32 $0x11900  }
0x7a: {  	[tilespmem:s31], [sflag:$0x1] =	stream.indirect_vreg.gather [hbm4b:s3+s2], $0x80, v3, vm0, $0xb8;
	[tilespmem:$0x1C100] =	vst v63  }
0x7b: {  	s1 =	simm.s32 $0x12100  }
0x7c: {  	[tilespmem:s1], [sflag:$0x1] =	stream.indirect_vreg.gather [hbm4b:s8+s2], $0x80, v3, vm0, $0xb8;
	[tilespmem:$0x1C100] =	vst v63  }
0x7d: {  	s13 =	simm.s32 $0x12900  }
0x7e: {  	[tilespmem:s13], [sflag:$0x1] =	stream.indirect_vreg.gather [hbm4b:s9+s2], $0x80, v3, vm0, $0xb8;
	[tilespmem:$0x1C100] =	vst v63  }
0x7f: {  	v3 =	vld [tilespmem:$0x90];
	_ =	sdelay $0x4  }
0x80: {  	v61 =	vshrl.u32 v3, $0x3  }
0x81: {  	v4 =	vmul.u32 $0x30, v61  }
0x82: {  	v3 =	vand.u32 $0x7, v3  }
0x83: {  	v3 =	vor.u32 v3, v4  }
0x84: {  	v4 =	vperm.xlane v3, v0;
	_ =	sdelay $0x1  }
0x85: {  	v4 =	vadd.s32 v1, v4;
	_ =	sdelay $0x3  }
0x86: {  	s14 =	simm.s32 $0x13100;
	v3 =	vperm.xlane v3, v2  }
0x87: {  	[tilespmem:s14], [sflag:$0x1] =	stream.indirect_vreg.gather [hbm4b:s3+s2], $0x80, v4, vm0, $0xb8;
	[tilespmem:$0x1C100] =	vst v63  }
0x88: {  	s30 =	simm.s32 $0x13900;
	v3 =	vadd.s32 v1, v3  }
0x89: {  	[tilespmem:s30], [sflag:$0x1] =	stream.indirect_vreg.gather [hbm4b:s8+s2], $0x80, v4, vm0, $0xb8;
	[tilespmem:$0x1C100] =	vst v63  }
0x8a: {  	s31 =	simm.s32 $0x14100  }
0x8b: {  	[tilespmem:s31], [sflag:$0x1] =	stream.indirect_vreg.gather [hbm4b:s9+s2], $0x80, v4, vm0, $0xb8;
	[tilespmem:$0x1C100] =	vst v63  }
0x8c: {  	s1 =	simm.s32 $0x14900  }
0x8d: {  	[tilespmem:s1], [sflag:$0x1] =	stream.indirect_vreg.gather [hbm4b:s3+s2], $0x80, v3, vm0, $0xb8;
	[tilespmem:$0x1C100] =	vst v63  }
0x8e: {  	s13 =	simm.s32 $0x15100  }
0x8f: {  	[tilespmem:s13], [sflag:$0x1] =	stream.indirect_vreg.gather [hbm4b:s8+s2], $0x80, v3, vm0, $0xb8;
	[tilespmem:$0x1C100] =	vst v63  }
0x90: {  	s14 =	simm.s32 $0x15900  }
0x91: {  	[tilespmem:s14], [sflag:$0x1] =	stream.indirect_vreg.gather [hbm4b:s9+s2], $0x80, v3, vm0, $0xb8;
	[tilespmem:$0x1C100] =	vst v63  }
0x92: {  	v3 =	vld [tilespmem:$0xA0];
	_ =	sdelay $0x4  }
0x93: {  	v62 =	vshrl.u32 v3, $0x3  }
0x94: {  	v4 =	vmul.u32 $0x30, v62  }
0x95: {  	v3 =	vand.u32 $0x7, v3  }
0x96: {  	v3 =	vor.u32 v3, v4  }
0x97: {  	v4 =	vperm.xlane v3, v0;
	_ =	sdelay $0x1  }
0x98: {  	v4 =	vadd.s32 v1, v4;
	_ =	sdelay $0x3  }
0x99: {  	s30 =	simm.s32 $0x16100;
	v3 =	vperm.xlane v3, v2  }
0x9a: {  	[tilespmem:s30], [sflag:$0x1] =	stream.indirect_vreg.gather [hbm4b:s3+s2], $0x80, v4, vm0, $0xb8;
	[tilespmem:$0x1C100] =	vst v63  }
0x9b: {  	s31 =	simm.s32 $0x16900;
	v3 =	vadd.s32 v1, v3  }
0x9c: {  	[tilespmem:s31], [sflag:$0x1] =	stream.indirect_vreg.gather [hbm4b:s8+s2], $0x80, v4, vm0, $0xb8;
	[tilespmem:$0x1C100] =	vst v63  }
0x9d: {  	_ = 	snop  }
0x9e: {  	[tilespmem:s15], [sflag:$0x1] =	stream.indirect_vreg.gather [hbm4b:s9+s2], $0x80, v4, vm0, $0xb8;
	[tilespmem:$0x1C100] =	vst v63  }
0x9f: {  	_ = 	snop  }
0xa0: {  	[tilespmem:s17], [sflag:$0x1] =	stream.indirect_vreg.gather [hbm4b:s3+s2], $0x80, v3, vm0, $0xb8;
	[tilespmem:$0x1C100] =	vst v63  }
0xa1: {  	_ = 	snop  }
0xa2: {  	[tilespmem:s18], [sflag:$0x1] =	stream.indirect_vreg.gather [hbm4b:s8+s2], $0x80, v3, vm0, $0xb8;
	[tilespmem:$0x1C100] =	vst v63  }
0xa3: {  	_ = 	snop  }
0xa4: {  	[tilespmem:s19], [sflag:$0x1] =	stream.indirect_vreg.gather [hbm4b:s9+s2], $0x80, v3, vm0, $0xb8;
	[tilespmem:$0x1C100] =	vst v63  }
0xa5: {  	v3 =	vld [tilespmem:$0xB0];
	_ =	sdelay $0x4  }
0xa6: {  	v63 =	vshrl.u32 v3, $0x3  }
0xa7: {  	v4 =	vmul.u32 $0x30, v63  }
0xa8: {  	v3 =	vand.u32 $0x7, v3  }
0xa9: {  	v3 =	vor.u32 v3, v4  }
0xaa: {  	v4 =	vperm.xlane v3, v0;
	_ =	sdelay $0x1  }
0xab: {  	v4 =	vadd.s32 v1, v4;
	_ =	sdelay $0x3  }
0xac: {  	v3 =	vperm.xlane v3, v2  }
0xad: {  	[tilespmem:s20], [sflag:$0x1] =	stream.indirect_vreg.gather [hbm4b:s3+s2], $0x80, v4, vm0, $0xb8;
	[tilespmem:$0x1C100] =	vst v63  }
0xae: {  	v3 =	vadd.s32 v1, v3  }
0xaf: {  	[tilespmem:s21], [sflag:$0x1] =	stream.indirect_vreg.gather [hbm4b:s8+s2], $0x80, v4, vm0, $0xb8;
	[tilespmem:$0x1C100] =	vst v63  }
0xb0: {  	_ = 	snop  }
0xb1: {  	[tilespmem:s22], [sflag:$0x1] =	stream.indirect_vreg.gather [hbm4b:s9+s2], $0x80, v4, vm0, $0xb8;
	[tilespmem:$0x1C100] =	vst v63  }
0xb2: {  	_ = 	snop  }
0xb3: {  	[tilespmem:s23], [sflag:$0x1] =	stream.indirect_vreg.gather [hbm4b:s3+s2], $0x80, v3, vm0, $0xb8;
	[tilespmem:$0x1C100] =	vst v63  }
0xb4: {  	_ = 	snop  }
0xb5: {  	[tilespmem:s24], [sflag:$0x1] =	stream.indirect_vreg.gather [hbm4b:s8+s2], $0x80, v3, vm0, $0xb8;
	[tilespmem:$0x1C100] =	vst v63  }
0xb6: {  	_ = 	snop  }
0xb7: {  	[tilespmem:s25], [sflag:$0x1] =	stream.indirect_vreg.gather [hbm4b:s9+s2], $0x80, v3, vm0, $0xb8;
	[tilespmem:$0x1C100] =	vst v63  }
0xb8: {  	_ =	swait.ge [sflag:s26], $0xC000  }
0xb9: {  	[sflag:s26] =	ssyncset.done $0x0  }
0xba: {  	[sflag:s26] =	ssyncadd.s32 $0xFFFF4000  }
0xbb: {  	_ =	swait.ge [sflag:s26], $0xC000  }
0xbc: {  	[sflag:s26] =	ssyncset.done $0x0  }
0xbd: {  	s29 =	simm.s32 $0x0;
	[sflag:s26] =	ssyncadd.s32 $0xFFFF4000  }
.LBB2_2:
0xbe: {  	s0 =	sshrl.u32 s29, $0x3  }
0xbf: {  	s1 =	sshll.u32 s29, $0x7;
	s0 =	smul.u32 $0x1800, s0  }
0xc0: {  	s14 =	simm.s32 $0x0;
	s13 =	sand.u32 $0x380, s1  }
0xc1: {  	s30 =	sor.u32 s13, s0;
	s13 =	sand.u32 $0x1C00, s14  }
0xc2: {  	v3 =	vld [tilespmem:s1+$0x100];
	s14 =	sand.u32 $0x70, s14;
	s0 =	sadd.s32 s30, s13  }
0xc3: {  	v4 =	vld [tilespmem:s1+$0x2100];
	s31 =	sor.u32 s14, s0  }
0xc4: {  	v5 =	vld [tilespmem:s31+$0x10100]  }
0xc5: {  	v6 =	vld [tilespmem:s31+$0x4100];
	_ =	sdelay $0x4  }
0xc6: {  	s0 =	simm.s32 $0x80;
	v6 =	vmul.f32 v6, v3;
	v5 =	vmul.f32 v5, v4  }
0xc7: {  	s13 =	simm.s32 $0x10;
	s14 =	sand.u32 $0x1C00, s0  }
0xc8: {  	s1 =	simm.s32 $0x20;
	s13 =	sand.u32 $0x70, s13;
	s14 =	sadd.s32 s30, s14;
	v5 =	vadd.f32 v5, v6  }
.LBB2_3:
0xc9: {  	p0 =	sne.s32 s1, $0x2F0;
	s13 =	sor.u32 s13, s14  }
0xca: {  	v6 =	vld [tilespmem:s13+$0x10100];
	[tilespmem:s31+$0x4100] =	vst v5;
	s31 =	smov.u32 s13  }
0xcb: {  	v5 =	vld [tilespmem:s31+$0x4100];
	_ =	sdelay $0x2  }
.Ltmp0:
0xcc: {  	(pc) =	sbr.rel @p0 .LBB2_3-.Ltmp0, $4  }
0xcd: {  	_ = 	snop  }
0xce: {  	s0 =	sadd.s32 $0x80, s0;
	v6 =	vmul.f32 v6, v4;
	v5 =	vmul.f32 v5, v3  }
0xcf: {  	s14 =	sand.u32 $0x1C00, s0  }
0xd0: {  	s13 =	sand.u32 $0x70, s1;
	s1 =	sadd.s32 $0x10, s1;
	s14 =	sadd.s32 s30, s14;
	v5 =	vadd.f32 v6, v5  }
0xd1: {  	s0 =	sor.u32 s13, s14  }
0xd2: {  	v6 =	vld [tilespmem:s0+$0x10100];
	[tilespmem:s31+$0x4100] =	vst v5  }
0xd3: {  	v5 =	vld [tilespmem:s0+$0x4100];
	_ =	sdelay $0x2  }
0xd4: {  	s29 =	sadd.s32 $0x1, s29  }
0xd5: {  	p0 =	sne.s32 s29, $0x40  }
.Ltmp1:
0xd6: {  	v4 =	vmul.f32 v6, v4;
	v3 =	vmul.f32 v5, v3;
	(pc) =	sbr.rel @p0 .LBB2_2-.Ltmp1, $3  }
0xd7: {  	_ = 	snop  }
0xd8: {  	v3 =	vadd.f32 v4, v3;
	_ =	sdelay $0x1  }
0xd9: {  	[tilespmem:s0+$0x4100] =	vst v3  }
0xda: {  	s28 =	sadd.s32 $0x1, s28  }
0xdb: {  	p0 =	sne.s32 s28, s11  }
.Ltmp2:
0xdc: {  	_ = 	snop;
	(pc) =	sbr.rel @p0 .LBB2_1-.Ltmp2, $4  }
0xdd: {  	[hbm4b:s10+s2] =	stream.linear.scatter [tilespmem:s16], [sflag:$0x2], $0xC000, $0x38;
	[tilespmem:$0x1C100] =	vst v63  }
0xde: {  	_ =	swait.ge [sflag:s12], $0xC000  }
0xdf: {  	[sflag:s12] =	ssyncset.done $0x0  }
0xe0: {  	[sflag:s12] =	ssyncadd.s32 $0xFFFF4000  }
0xe1: {  	_ =	sfence.sel $0x180000  }
0xe2: {  	[bflag:$0x0] =	sbarrier.arrive $0xFFFF  }
0xe3: {  	_ =	strace $0x9000004A  }
0xe4: {  	s0 =	stileid.u32;
	[bflag:$0x2] =	sbarrier.arrive $0xFFFF  }
0xe5: {  	p0 =	sne.s32 s0, $0x0;
	s0 =	rddreg [dreg:$0x2]  }
0xe6: {  	s0 =	sadd.s32 @!p0 $0x100000, s0  }
0xe7: {  	[sflag:s0] =	ssyncadd.tile.s32 @!p0 $0x1;
	_ =	shalt  }
.Lfunc_end2:
_tile_overlayer_lowered:
.L_overlay_start_2:
0xe8: {  	(tag) =	ssettag $0x2  }
0xe9: {  	s0 =	rddreg [dreg:$0x0];
	s2 =	stileid.u32  }
0xea: {  	s1 =	rddreg [dreg:$0x1];
	p0 =	sne.s32 s2, $0x0  }
0xeb: {  	s3 =	rddreg [dreg:$0x2];
	[bflag:$0x3] =	sbarrier.arrive $0xFFFF;
	s2 =	simm.s32 @!p0 $0x1C02  }
0xec: {  	[timem:s3], [sflag:s2] =	dma.local @!p0 [hbm:s0], s1  }
0xed: {  	s0 =	simm.s32 @!p0 $0x2  }
0xee: {  	_ =	swait.ge @!p0 [sflag:s0], s1  }
0xef: {  	s1 =	ssub.s32 @!p0 $0x0, s1;
	[sflag:s0] =	ssyncset.done @!p0 $0x0  }
0xf0: {  	[sflag:s0] =	ssyncadd.s32 @!p0 s1  }
0xf1: {  	[bflag:$0x3] =	sbarrier.arrive $0xFFFF  }
0xf2: {  	_ =	shalt  }

</sc_bundles>
